<compile_context>
chip_gen: v7x
topology: tpu7x:2x2x1
jax: 0.10.2.dev20260603
libtpu: 0.0.44.dev20260713+nightly
codegen_flags: <defaults>
</compile_context>

<pallas_src>
import functools

import jax
import jax.numpy as jnp
from jax import lax
from jax.experimental import pallas as pl
from jax.experimental.pallas import tpu as pltpu
from jax.experimental.pallas import tpu_sc as plsc

_NUM_CORES = 2
_NUM_SUBCORES = 16
_NUM_WORKERS = _NUM_CORES * _NUM_SUBCORES
_LANES = 16
_LUT_SIZE = 128


def _encoder_body(n_classes, rows_per_worker, row_len, x_hbm, check_hbm,
                  out_hbm, x_v, out_v, chk_v, lut_v, sem0):
    wid = lax.axis_index("s") * _NUM_CORES + lax.axis_index("c")
    per_worker = rows_per_worker * row_len
    base = wid * per_worker

    r0 = wid * rows_per_worker
    cp0 = pltpu.async_copy(x_hbm.at[pl.ds(r0, rows_per_worker)], x_v, sem0)

    zeros = jnp.zeros((_LANES,), jnp.int32)
    for j in range(0, _LUT_SIZE, _LANES):
        lut_v[pl.ds(j, _LANES)] = zeros
    pltpu.sync_copy(check_hbm, chk_v.at[pl.ds(0, n_classes)])
    ids = lax.iota(jnp.int32, _LANES)
    for j in reversed(range(0, n_classes, _LANES)):
        vals = chk_v[pl.ds(j, _LANES)] & (_LUT_SIZE - 1)
        jvec = ids + j
        plsc.store_scatter(lut_v, [vals], jvec, mask=jvec < n_classes)

    n_full = row_len // _LANES
    cols = [c * _LANES for c in range(n_full)]
    if row_len % _LANES:
        cols.append(row_len - _LANES)

    cp0.wait()

    @plsc.parallel_loop(0, rows_per_worker, unroll=2)
    def _(i):
        rbase = i * row_len
        for c in cols:
            vals = x_v[i, pl.ds(c, _LANES)]
            out_v[pl.ds(rbase + c, _LANES)] = plsc.load_gather(lut_v, [vals])

    pltpu.sync_copy(out_v, out_hbm.at[pl.ds(base, per_worker)])


def kernel(x, check_tensor):
    n_rows, row_len = x.shape
    n = n_rows * row_len
    rows_per_worker = n_rows // _NUM_WORKERS
    n_classes = check_tensor.shape[0]

    mesh = plsc.VectorSubcoreMesh(
        core_axis_name="c", subcore_axis_name="s",
        num_cores=_NUM_CORES, num_subcores=_NUM_SUBCORES)
    run = pl.kernel(
        functools.partial(_encoder_body, n_classes, rows_per_worker, row_len),
        out_type=jax.ShapeDtypeStruct((n,), jnp.int32),
        mesh=mesh,
        scratch_types=[
            pltpu.VMEM((rows_per_worker, row_len), jnp.int32),
            pltpu.VMEM((rows_per_worker * row_len,), jnp.int32),
            pltpu.VMEM((_LUT_SIZE,), jnp.int32),
            pltpu.VMEM((_LUT_SIZE,), jnp.int32),
            pltpu.SemaphoreType.DMA,
        ],
        compiler_params=pltpu.CompilerParams(needs_layout_passes=False),
    )
    return run(x, check_tensor)

# --- scband reference (transcript-rebuilt; emitter-appended) ---
"""Pipeline reference for scband-numeric-label-encoder-12403865550880 (READ-ONLY COPY).

The authoritative reference and input builder live on the scoring server;
editing this copy changes nothing except your own understanding.
"""

import jax, jax.numpy as jnp
import numpy as np

NUM_CLASSES = 100
BATCH = 4096
HIST = 200


def setup_inputs(seed: int = 0) -> dict:
    key = jax.random.key(seed)
    # forward input: integer labels drawn from the class set [0, 100)
    x = jax.random.randint(jax.random.fold_in(key, 0), (BATCH, HIST), 0, NUM_CLASSES, dtype=jnp.int32)
    # learned/registered (non-trainable) parameter: the class-id lookup tensor
    check_tensor = jnp.arange(NUM_CLASSES, dtype=jnp.int32)
    return {"x": x, "check_tensor": check_tensor}


def reference(x, check_tensor):
    # x = x.view(-1, 1)
    xv = x.reshape(-1, 1)
    # torch.argmax(torch.eq(x, self.check_tensor), dim=1)
    eq = jnp.equal(xv, check_tensor[None, :])
    return jnp.argmax(eq, axis=1)

if __name__ == "__main__":
    import jax
    _d = setup_inputs()
    print(jax.jit(kernel)(*tuple(_d.values())))

</pallas_src>

<mosaic_0001>
#map = affine_map<(d0, d1) -> (0, 0)>
#map1 = affine_map<(d0, d1) -> (0)>
module attributes {stable_mosaic.version = 14 : i64} {
  func.func @_encoder_body(%arg0: i32, %arg1: i32, %arg2: memref<4096x200xi32, #tpu.memory_space<hbm>>, %arg3: memref<100xi32, #tpu.memory_space<hbm>>, %arg4: memref<819200xi32, #tpu.memory_space<hbm>>, %arg5: memref<128x200xi32, #tpu.memory_space<vmem>>, %arg6: memref<25600xi32, #tpu.memory_space<vmem>>, %arg7: memref<128xi32, #tpu.memory_space<vmem>>, %arg8: memref<128xi32, #tpu.memory_space<vmem>>, %arg9: memref<!tpu.dma_semaphore, #tpu.memory_space<semaphore_mem>>) attributes {dimension_semantics = [#tpu.dimension_semantics<core_parallel>, #tpu.dimension_semantics<subcore_parallel>], iteration_bounds = array<i64: 2, 16>, scalar_prefetch = 0 : i64, scratch_operands = 5 : i64, tpu.core_type = #tpu.core_type<sc_vector_subcore>, window_params = [{transform_indices = #map}, {transform_indices = #map1}, {transform_indices = #map1}]} {
    %mul3A = arith.constant 2 : i32
    %mul3A_0 = arith.muli %arg1, %mul3A : i32
    %add3A = arith.addi %mul3A_0, %arg0 : i32
    %mul3A_1 = arith.constant 25600 : i32
    %mul3A_2 = arith.muli %add3A, %mul3A_1 : i32
    %mul3A_3 = arith.constant 128 : i32
    %mul3A_4 = arith.muli %add3A, %mul3A_3 : i32
    %dma_start3A = arith.constant 0 : i32
    %dma_start3A_5 = tpu.memref_slice %arg2[%mul3A_4, %dma_start3A] : memref<4096x200xi32, #tpu.memory_space<hbm>> -> memref<128x200xi32, #tpu.memory_space<hbm>>
    %dma_start3A_6 = arith.constant 0 : i32
    %dma_start3A_7 = tpu.memref_slice %arg2[%mul3A_4, %dma_start3A_6] : memref<4096x200xi32, #tpu.memory_space<hbm>> -> memref<128x200xi32, #tpu.memory_space<hbm>>
    tpu.enqueue_dma source(%dma_start3A_7 : memref<128x200xi32, #tpu.memory_space<hbm>>) target(%arg5 : memref<128x200xi32, #tpu.memory_space<vmem>>) target_semaphore(%arg9 : memref<!tpu.dma_semaphore, #tpu.memory_space<semaphore_mem>>)
    %broadcast_in_dim3A = arith.constant 0 : i32
    %broadcast_in_dim3A_8 = vector.broadcast %broadcast_in_dim3A : i32 to vector<16xi32>
    %swap3A = arith.constant 0 : index
    %swap3A_9 = tpu.vector_load %arg8[%swap3A] {strides = array<i32>} : memref<128xi32, #tpu.memory_space<vmem>>, vector<16xi32>,
    tpu.vector_store %arg8[%swap3A], %broadcast_in_dim3A_8 {strides = array<i32>} : memref<128xi32, #tpu.memory_space<vmem>>, vector<16xi32>,
    %swap3A_10 = arith.constant 16 : index
    %swap3A_11 = tpu.vector_load %arg8[%swap3A_10] {strides = array<i32>} : memref<128xi32, #tpu.memory_space<vmem>>, vector<16xi32>,
    tpu.vector_store %arg8[%swap3A_10], %broadcast_in_dim3A_8 {strides = array<i32>} : memref<128xi32, #tpu.memory_space<vmem>>, vector<16xi32>,
    %swap3A_12 = arith.constant 32 : index
    %swap3A_13 = tpu.vector_load %arg8[%swap3A_12] {strides = array<i32>} : memref<128xi32, #tpu.memory_space<vmem>>, vector<16xi32>,
    tpu.vector_store %arg8[%swap3A_12], %broadcast_in_dim3A_8 {strides = array<i32>} : memref<128xi32, #tpu.memory_space<vmem>>, vector<16xi32>,
    %swap3A_14 = arith.constant 48 : index
    %swap3A_15 = tpu.vector_load %arg8[%swap3A_14] {strides = array<i32>} : memref<128xi32, #tpu.memory_space<vmem>>, vector<16xi32>,
    tpu.vector_store %arg8[%swap3A_14], %broadcast_in_dim3A_8 {strides = array<i32>} : memref<128xi32, #tpu.memory_space<vmem>>, vector<16xi32>,
    %swap3A_16 = arith.constant 64 : index
    %swap3A_17 = tpu.vector_load %arg8[%swap3A_16] {strides = array<i32>} : memref<128xi32, #tpu.memory_space<vmem>>, vector<16xi32>,
    tpu.vector_store %arg8[%swap3A_16], %broadcast_in_dim3A_8 {strides = array<i32>} : memref<128xi32, #tpu.memory_space<vmem>>, vector<16xi32>,
    %swap3A_18 = arith.constant 80 : index
    %swap3A_19 = tpu.vector_load %arg8[%swap3A_18] {strides = array<i32>} : memref<128xi32, #tpu.memory_space<vmem>>, vector<16xi32>,
    tpu.vector_store %arg8[%swap3A_18], %broadcast_in_dim3A_8 {strides = array<i32>} : memref<128xi32, #tpu.memory_space<vmem>>, vector<16xi32>,
    %swap3A_20 = arith.constant 96 : index
    %swap3A_21 = tpu.vector_load %arg8[%swap3A_20] {strides = array<i32>} : memref<128xi32, #tpu.memory_space<vmem>>, vector<16xi32>,
    tpu.vector_store %arg8[%swap3A_20], %broadcast_in_dim3A_8 {strides = array<i32>} : memref<128xi32, #tpu.memory_space<vmem>>, vector<16xi32>,
    %swap3A_22 = arith.constant 112 : index
    %swap3A_23 = tpu.vector_load %arg8[%swap3A_22] {strides = array<i32>} : memref<128xi32, #tpu.memory_space<vmem>>, vector<16xi32>,
    tpu.vector_store %arg8[%swap3A_22], %broadcast_in_dim3A_8 {strides = array<i32>} : memref<128xi32, #tpu.memory_space<vmem>>, vector<16xi32>,
    "tpu.region"() ({
      %run_scoped3A = tpu.sem_alloc : memref<!tpu.dma_semaphore, #tpu.memory_space<semaphore_mem>>
      %dma_start3A_103 = arith.constant 0 : i32
      %dma_start3A_104 = tpu.memref_slice %arg7[%dma_start3A_103] : memref<128xi32, #tpu.memory_space<vmem>> -> memref<100xi32, #tpu.memory_space<vmem>>
      %dma_start3A_105 = arith.constant 0 : i32
      %dma_start3A_106 = tpu.memref_slice %arg7[%dma_start3A_105] : memref<128xi32, #tpu.memory_space<vmem>> -> memref<100xi32, #tpu.memory_space<vmem>>
      tpu.enqueue_dma source(%arg3 : memref<100xi32, #tpu.memory_space<hbm>>) target(%dma_start3A_106 : memref<100xi32, #tpu.memory_space<vmem>>) target_semaphore(%run_scoped3A : memref<!tpu.dma_semaphore, #tpu.memory_space<semaphore_mem>>)
      %dma_wait3A_107 = arith.constant 0 : i32
      %dma_wait3A_108 = tpu.memref_slice %arg7[%dma_wait3A_107] : memref<128xi32, #tpu.memory_space<vmem>> -> memref<100xi32, #tpu.memory_space<vmem>>
      %dma_wait3A_109 = arith.constant 0 : i32
      %dma_wait3A_110 = tpu.memref_slice %arg7[%dma_wait3A_109] : memref<128xi32, #tpu.memory_space<vmem>> -> memref<100xi32, #tpu.memory_space<vmem>>
      tpu.wait_dma2 semaphore(%run_scoped3A : memref<!tpu.dma_semaphore, #tpu.memory_space<semaphore_mem>>) src(%arg3 : memref<100xi32, #tpu.memory_space<hbm>>) dst(%dma_wait3A_110 : memref<100xi32, #tpu.memory_space<vmem>>)
      tpu.yield
    }) : () -> ()
    %iota3A = tpu.iota {dimensions = array<i32: 0>} : vector<16xi32>
    %get3A = arith.constant 96 : index
    %get3A_24 = tpu.vector_load %arg7[%get3A] {strides = array<i32>} : memref<128xi32, #tpu.memory_space<vmem>>, vector<16xi32>,
    %and3A = arith.constant 127 : i32
    %and3A_25 = vector.broadcast %and3A : i32 to vector<16xi32>
    %and3A_26 = arith.andi %get3A_24, %and3A_25 : vector<16xi32>
    %add3A_27 = arith.constant 96 : i32
    %add3A_28 = vector.broadcast %add3A_27 : i32 to vector<16xi32>
    %add3A_29 = arith.addi %iota3A, %add3A_28 : vector<16xi32>
    %lt3A = arith.constant 100 : i32
    %lt3A_30 = vector.broadcast %lt3A : i32 to vector<16xi32>
    %lt3A_31 = arith.cmpi slt, %add3A_29, %lt3A_30 : vector<16xi32>
    tpu.vector_store_idx %arg8[%and3A_26], %add3A_29 masked %lt3A_31 : memref<128xi32, #tpu.memory_space<vmem>>[vector<16xi32>], vector<16xi32>, vector<16xi1>
    %get3A_32 = arith.constant 80 : index
    %get3A_33 = tpu.vector_load %arg7[%get3A_32] {strides = array<i32>} : memref<128xi32, #tpu.memory_space<vmem>>, vector<16xi32>,
    %and3A_34 = arith.constant 127 : i32
    %and3A_35 = vector.broadcast %and3A_34 : i32 to vector<16xi32>
    %and3A_36 = arith.andi %get3A_33, %and3A_35 : vector<16xi32>
    %add3A_37 = arith.constant 80 : i32
    %add3A_38 = vector.broadcast %add3A_37 : i32 to vector<16xi32>
    %add3A_39 = arith.addi %iota3A, %add3A_38 : vector<16xi32>
    %lt3A_40 = arith.constant 100 : i32
    %lt3A_41 = vector.broadcast %lt3A_40 : i32 to vector<16xi32>
    %lt3A_42 = arith.cmpi slt, %add3A_39, %lt3A_41 : vector<16xi32>
    tpu.vector_store_idx %arg8[%and3A_36], %add3A_39 masked %lt3A_42 : memref<128xi32, #tpu.memory_space<vmem>>[vector<16xi32>], vector<16xi32>, vector<16xi1>
    %get3A_43 = arith.constant 64 : index
    %get3A_44 = tpu.vector_load %arg7[%get3A_43] {strides = array<i32>} : memref<128xi32, #tpu.memory_space<vmem>>, vector<16xi32>,
    %and3A_45 = arith.constant 127 : i32
    %and3A_46 = vector.broadcast %and3A_45 : i32 to vector<16xi32>
    %and3A_47 = arith.andi %get3A_44, %and3A_46 : vector<16xi32>
    %add3A_48 = arith.constant 64 : i32
    %add3A_49 = vector.broadcast %add3A_48 : i32 to vector<16xi32>
    %add3A_50 = arith.addi %iota3A, %add3A_49 : vector<16xi32>
    %lt3A_51 = arith.constant 100 : i32
    %lt3A_52 = vector.broadcast %lt3A_51 : i32 to vector<16xi32>
    %lt3A_53 = arith.cmpi slt, %add3A_50, %lt3A_52 : vector<16xi32>
    tpu.vector_store_idx %arg8[%and3A_47], %add3A_50 masked %lt3A_53 : memref<128xi32, #tpu.memory_space<vmem>>[vector<16xi32>], vector<16xi32>, vector<16xi1>
    %get3A_54 = arith.constant 48 : index
    %get3A_55 = tpu.vector_load %arg7[%get3A_54] {strides = array<i32>} : memref<128xi32, #tpu.memory_space<vmem>>, vector<16xi32>,
    %and3A_56 = arith.constant 127 : i32
    %and3A_57 = vector.broadcast %and3A_56 : i32 to vector<16xi32>
    %and3A_58 = arith.andi %get3A_55, %and3A_57 : vector<16xi32>
    %add3A_59 = arith.constant 48 : i32
    %add3A_60 = vector.broadcast %add3A_59 : i32 to vector<16xi32>
    %add3A_61 = arith.addi %iota3A, %add3A_60 : vector<16xi32>
    %lt3A_62 = arith.constant 100 : i32
    %lt3A_63 = vector.broadcast %lt3A_62 : i32 to vector<16xi32>
    %lt3A_64 = arith.cmpi slt, %add3A_61, %lt3A_63 : vector<16xi32>
    tpu.vector_store_idx %arg8[%and3A_58], %add3A_61 masked %lt3A_64 : memref<128xi32, #tpu.memory_space<vmem>>[vector<16xi32>], vector<16xi32>, vector<16xi1>
    %get3A_65 = arith.constant 32 : index
    %get3A_66 = tpu.vector_load %arg7[%get3A_65] {strides = array<i32>} : memref<128xi32, #tpu.memory_space<vmem>>, vector<16xi32>,
    %and3A_67 = arith.constant 127 : i32
    %and3A_68 = vector.broadcast %and3A_67 : i32 to vector<16xi32>
    %and3A_69 = arith.andi %get3A_66, %and3A_68 : vector<16xi32>
    %add3A_70 = arith.constant 32 : i32
    %add3A_71 = vector.broadcast %add3A_70 : i32 to vector<16xi32>
    %add3A_72 = arith.addi %iota3A, %add3A_71 : vector<16xi32>
    %lt3A_73 = arith.constant 100 : i32
    %lt3A_74 = vector.broadcast %lt3A_73 : i32 to vector<16xi32>
    %lt3A_75 = arith.cmpi slt, %add3A_72, %lt3A_74 : vector<16xi32>
    tpu.vector_store_idx %arg8[%and3A_69], %add3A_72 masked %lt3A_75 : memref<128xi32, #tpu.memory_space<vmem>>[vector<16xi32>], vector<16xi32>, vector<16xi1>
    %get3A_76 = arith.constant 16 : index
    %get3A_77 = tpu.vector_load %arg7[%get3A_76] {strides = array<i32>} : memref<128xi32, #tpu.memory_space<vmem>>, vector<16xi32>,
    %and3A_78 = arith.constant 127 : i32
    %and3A_79 = vector.broadcast %and3A_78 : i32 to vector<16xi32>
    %and3A_80 = arith.andi %get3A_77, %and3A_79 : vector<16xi32>
    %add3A_81 = arith.constant 16 : i32
    %add3A_82 = vector.broadcast %add3A_81 : i32 to vector<16xi32>
    %add3A_83 = arith.addi %iota3A, %add3A_82 : vector<16xi32>
    %lt3A_84 = arith.constant 100 : i32
    %lt3A_85 = vector.broadcast %lt3A_84 : i32 to vector<16xi32>
    %lt3A_86 = arith.cmpi slt, %add3A_83, %lt3A_85 : vector<16xi32>
    tpu.vector_store_idx %arg8[%and3A_80], %add3A_83 masked %lt3A_86 : memref<128xi32, #tpu.memory_space<vmem>>[vector<16xi32>], vector<16xi32>, vector<16xi1>
    %get3A_87 = arith.constant 0 : index
    %get3A_88 = tpu.vector_load %arg7[%get3A_87] {strides = array<i32>} : memref<128xi32, #tpu.memory_space<vmem>>, vector<16xi32>,
    %and3A_89 = arith.constant 127 : i32
    %and3A_90 = vector.broadcast %and3A_89 : i32 to vector<16xi32>
    %and3A_91 = arith.andi %get3A_88, %and3A_90 : vector<16xi32>
    %add3A_92 = arith.constant 0 : i32
    %add3A_93 = vector.broadcast %add3A_92 : i32 to vector<16xi32>
    %add3A_94 = arith.addi %iota3A, %add3A_93 : vector<16xi32>
    %lt3A_95 = arith.constant 100 : i32
    %lt3A_96 = vector.broadcast %lt3A_95 : i32 to vector<16xi32>
    %lt3A_97 = arith.cmpi slt, %add3A_94, %lt3A_96 : vector<16xi32>
    tpu.vector_store_idx %arg8[%and3A_91], %add3A_94 masked %lt3A_97 : memref<128xi32, #tpu.memory_space<vmem>>[vector<16xi32>], vector<16xi32>, vector<16xi1>
    %dma_wait3A = arith.constant 0 : i32
    %dma_wait3A_98 = tpu.memref_slice %arg2[%mul3A_4, %dma_wait3A] : memref<4096x200xi32, #tpu.memory_space<hbm>> -> memref<128x200xi32, #tpu.memory_space<hbm>>
    %dma_wait3A_99 = arith.constant 0 : i32
    %dma_wait3A_100 = tpu.memref_slice %arg2[%mul3A_4, %dma_wait3A_99] : memref<4096x200xi32, #tpu.memory_space<hbm>> -> memref<128x200xi32, #tpu.memory_space<hbm>>
    tpu.wait_dma2 semaphore(%arg9 : memref<!tpu.dma_semaphore, #tpu.memory_space<semaphore_mem>>) src(%dma_wait3A_100 : memref<128x200xi32, #tpu.memory_space<hbm>>) dst(%arg5 : memref<128x200xi32, #tpu.memory_space<vmem>>)
    %parallel_loop3A = arith.constant 0 : i32
    %parallel_loop3A_101 = arith.constant 128 : i32
    %parallel_loop3A_102 = arith.constant 1 : i32
    scf.for %parallel_loop3A_103 = %parallel_loop3A to %parallel_loop3A_101 step %parallel_loop3A_102  : i32 {
      %parallel_loop3A_104 = arith.constant 200 : i32
      %parallel_loop3A_105 = arith.muli %parallel_loop3A_103, %parallel_loop3A_104 : i32
      %parallel_loop3A_106 = arith.index_cast %parallel_loop3A_103 : i32 to index
      %parallel_loop3A_107 = arith.constant 0 : index
      %parallel_loop3A_108 = tpu.vector_load %arg5[%parallel_loop3A_106, %parallel_loop3A_107] {strides = array<i32>} : memref<128x200xi32, #tpu.memory_space<vmem>>, vector<16xi32>,
      %parallel_loop3A_109 = tpu.vector_load_idx %arg8[%parallel_loop3A_108] : memref<128xi32, #tpu.memory_space<vmem>>[vector<16xi32>], vector<16xi32>,
      %parallel_loop3A_110 = arith.constant 0 : i32
      %parallel_loop3A_111 = arith.addi %parallel_loop3A_105, %parallel_loop3A_110 : i32
      %parallel_loop3A_112 = arith.index_cast %parallel_loop3A_111 : i32 to index
      %parallel_loop3A_113 = tpu.vector_load %arg6[%parallel_loop3A_112] {strides = array<i32>} : memref<25600xi32, #tpu.memory_space<vmem>>, vector<16xi32>,
      tpu.vector_store %arg6[%parallel_loop3A_112], %parallel_loop3A_109 {strides = array<i32>} : memref<25600xi32, #tpu.memory_space<vmem>>, vector<16xi32>,
      %parallel_loop3A_114 = arith.index_cast %parallel_loop3A_103 : i32 to index
      %parallel_loop3A_115 = arith.constant 16 : index
      %parallel_loop3A_116 = tpu.vector_load %arg5[%parallel_loop3A_114, %parallel_loop3A_115] {strides = array<i32>} : memref<128x200xi32, #tpu.memory_space<vmem>>, vector<16xi32>,
      %parallel_loop3A_117 = tpu.vector_load_idx %arg8[%parallel_loop3A_116] : memref<128xi32, #tpu.memory_space<vmem>>[vector<16xi32>], vector<16xi32>,
      %parallel_loop3A_118 = arith.constant 16 : i32
      %parallel_loop3A_119 = arith.addi %parallel_loop3A_105, %parallel_loop3A_118 : i32
      %parallel_loop3A_120 = arith.index_cast %parallel_loop3A_119 : i32 to index
      %parallel_loop3A_121 = tpu.vector_load %arg6[%parallel_loop3A_120] {strides = array<i32>} : memref<25600xi32, #tpu.memory_space<vmem>>, vector<16xi32>,
      tpu.vector_store %arg6[%parallel_loop3A_120], %parallel_loop3A_117 {strides = array<i32>} : memref<25600xi32, #tpu.memory_space<vmem>>, vector<16xi32>,
      %parallel_loop3A_122 = arith.index_cast %parallel_loop3A_103 : i32 to index
      %parallel_loop3A_123 = arith.constant 32 : index
      %parallel_loop3A_124 = tpu.vector_load %arg5[%parallel_loop3A_122, %parallel_loop3A_123] {strides = array<i32>} : memref<128x200xi32, #tpu.memory_space<vmem>>, vector<16xi32>,
      %parallel_loop3A_125 = tpu.vector_load_idx %arg8[%parallel_loop3A_124] : memref<128xi32, #tpu.memory_space<vmem>>[vector<16xi32>], vector<16xi32>,
      %parallel_loop3A_126 = arith.constant 32 : i32
      %parallel_loop3A_127 = arith.addi %parallel_loop3A_105, %parallel_loop3A_126 : i32
      %parallel_loop3A_128 = arith.index_cast %parallel_loop3A_127 : i32 to index
      %parallel_loop3A_129 = tpu.vector_load %arg6[%parallel_loop3A_128] {strides = array<i32>} : memref<25600xi32, #tpu.memory_space<vmem>>, vector<16xi32>,
      tpu.vector_store %arg6[%parallel_loop3A_128], %parallel_loop3A_125 {strides = array<i32>} : memref<25600xi32, #tpu.memory_space<vmem>>, vector<16xi32>,
      %parallel_loop3A_130 = arith.index_cast %parallel_loop3A_103 : i32 to index
      %parallel_loop3A_131 = arith.constant 48 : index
      %parallel_loop3A_132 = tpu.vector_load %arg5[%parallel_loop3A_130, %parallel_loop3A_131] {strides = array<i32>} : memref<128x200xi32, #tpu.memory_space<vmem>>, vector<16xi32>,
      %parallel_loop3A_133 = tpu.vector_load_idx %arg8[%parallel_loop3A_132] : memref<128xi32, #tpu.memory_space<vmem>>[vector<16xi32>], vector<16xi32>,
      %parallel_loop3A_134 = arith.constant 48 : i32
      %parallel_loop3A_135 = arith.addi %parallel_loop3A_105, %parallel_loop3A_134 : i32
      %parallel_loop3A_136 = arith.index_cast %parallel_loop3A_135 : i32 to index
      %parallel_loop3A_137 = tpu.vector_load %arg6[%parallel_loop3A_136] {strides = array<i32>} : memref<25600xi32, #tpu.memory_space<vmem>>, vector<16xi32>,
      tpu.vector_store %arg6[%parallel_loop3A_136], %parallel_loop3A_133 {strides = array<i32>} : memref<25600xi32, #tpu.memory_space<vmem>>, vector<16xi32>,
      %parallel_loop3A_138 = arith.index_cast %parallel_loop3A_103 : i32 to index
      %parallel_loop3A_139 = arith.constant 64 : index
      %parallel_loop3A_140 = tpu.vector_load %arg5[%parallel_loop3A_138, %parallel_loop3A_139] {strides = array<i32>} : memref<128x200xi32, #tpu.memory_space<vmem>>, vector<16xi32>,
      %parallel_loop3A_141 = tpu.vector_load_idx %arg8[%parallel_loop3A_140] : memref<128xi32, #tpu.memory_space<vmem>>[vector<16xi32>], vector<16xi32>,
      %parallel_loop3A_142 = arith.constant 64 : i32
      %parallel_loop3A_143 = arith.addi %parallel_loop3A_105, %parallel_loop3A_142 : i32
      %parallel_loop3A_144 = arith.index_cast %parallel_loop3A_143 : i32 to index
      %parallel_loop3A_145 = tpu.vector_load %arg6[%parallel_loop3A_144] {strides = array<i32>} : memref<25600xi32, #tpu.memory_space<vmem>>, vector<16xi32>,
      tpu.vector_store %arg6[%parallel_loop3A_144], %parallel_loop3A_141 {strides = array<i32>} : memref<25600xi32, #tpu.memory_space<vmem>>, vector<16xi32>,
      %parallel_loop3A_146 = arith.index_cast %parallel_loop3A_103 : i32 to index
      %parallel_loop3A_147 = arith.constant 80 : index
      %parallel_loop3A_148 = tpu.vector_load %arg5[%parallel_loop3A_146, %parallel_loop3A_147] {strides = array<i32>} : memref<128x200xi32, #tpu.memory_space<vmem>>, vector<16xi32>,
      %parallel_loop3A_149 = tpu.vector_load_idx %arg8[%parallel_loop3A_148] : memref<128xi32, #tpu.memory_space<vmem>>[vector<16xi32>], vector<16xi32>,
      %parallel_loop3A_150 = arith.constant 80 : i32
      %parallel_loop3A_151 = arith.addi %parallel_loop3A_105, %parallel_loop3A_150 : i32
      %parallel_loop3A_152 = arith.index_cast %parallel_loop3A_151 : i32 to index
      %parallel_loop3A_153 = tpu.vector_load %arg6[%parallel_loop3A_152] {strides = array<i32>} : memref<25600xi32, #tpu.memory_space<vmem>>, vector<16xi32>,
      tpu.vector_store %arg6[%parallel_loop3A_152], %parallel_loop3A_149 {strides = array<i32>} : memref<25600xi32, #tpu.memory_space<vmem>>, vector<16xi32>,
      %parallel_loop3A_154 = arith.index_cast %parallel_loop3A_103 : i32 to index
      %parallel_loop3A_155 = arith.constant 96 : index
      %parallel_loop3A_156 = tpu.vector_load %arg5[%parallel_loop3A_154, %parallel_loop3A_155] {strides = array<i32>} : memref<128x200xi32, #tpu.memory_space<vmem>>, vector<16xi32>,
      %parallel_loop3A_157 = tpu.vector_load_idx %arg8[%parallel_loop3A_156] : memref<128xi32, #tpu.memory_space<vmem>>[vector<16xi32>], vector<16xi32>,
      %parallel_loop3A_158 = arith.constant 96 : i32
      %parallel_loop3A_159 = arith.addi %parallel_loop3A_105, %parallel_loop3A_158 : i32
      %parallel_loop3A_160 = arith.index_cast %parallel_loop3A_159 : i32 to index
      %parallel_loop3A_161 = tpu.vector_load %arg6[%parallel_loop3A_160] {strides = array<i32>} : memref<25600xi32, #tpu.memory_space<vmem>>, vector<16xi32>,
      tpu.vector_store %arg6[%parallel_loop3A_160], %parallel_loop3A_157 {strides = array<i32>} : memref<25600xi32, #tpu.memory_space<vmem>>, vector<16xi32>,
      %parallel_loop3A_162 = arith.index_cast %parallel_loop3A_103 : i32 to index
      %parallel_loop3A_163 = arith.constant 112 : index
      %parallel_loop3A_164 = tpu.vector_load %arg5[%parallel_loop3A_162, %parallel_loop3A_163] {strides = array<i32>} : memref<128x200xi32, #tpu.memory_space<vmem>>, vector<16xi32>,
      %parallel_loop3A_165 = tpu.vector_load_idx %arg8[%parallel_loop3A_164] : memref<128xi32, #tpu.memory_space<vmem>>[vector<16xi32>], vector<16xi32>,
      %parallel_loop3A_166 = arith.constant 112 : i32
      %parallel_loop3A_167 = arith.addi %parallel_loop3A_105, %parallel_loop3A_166 : i32
      %parallel_loop3A_168 = arith.index_cast %parallel_loop3A_167 : i32 to index
      %parallel_loop3A_169 = tpu.vector_load %arg6[%parallel_loop3A_168] {strides = array<i32>} : memref<25600xi32, #tpu.memory_space<vmem>>, vector<16xi32>,
      tpu.vector_store %arg6[%parallel_loop3A_168], %parallel_loop3A_165 {strides = array<i32>} : memref<25600xi32, #tpu.memory_space<vmem>>, vector<16xi32>,
      %parallel_loop3A_170 = arith.index_cast %parallel_loop3A_103 : i32 to index
      %parallel_loop3A_171 = arith.constant 128 : index
      %parallel_loop3A_172 = tpu.vector_load %arg5[%parallel_loop3A_170, %parallel_loop3A_171] {strides = array<i32>} : memref<128x200xi32, #tpu.memory_space<vmem>>, vector<16xi32>,
      %parallel_loop3A_173 = tpu.vector_load_idx %arg8[%parallel_loop3A_172] : memref<128xi32, #tpu.memory_space<vmem>>[vector<16xi32>], vector<16xi32>,
      %parallel_loop3A_174 = arith.constant 128 : i32
      %parallel_loop3A_175 = arith.addi %parallel_loop3A_105, %parallel_loop3A_174 : i32
      %parallel_loop3A_176 = arith.index_cast %parallel_loop3A_175 : i32 to index
      %parallel_loop3A_177 = tpu.vector_load %arg6[%parallel_loop3A_176] {strides = array<i32>} : memref<25600xi32, #tpu.memory_space<vmem>>, vector<16xi32>,
      tpu.vector_store %arg6[%parallel_loop3A_176], %parallel_loop3A_173 {strides = array<i32>} : memref<25600xi32, #tpu.memory_space<vmem>>, vector<16xi32>,
      %parallel_loop3A_178 = arith.index_cast %parallel_loop3A_103 : i32 to index
      %parallel_loop3A_179 = arith.constant 144 : index
      %parallel_loop3A_180 = tpu.vector_load %arg5[%parallel_loop3A_178, %parallel_loop3A_179] {strides = array<i32>} : memref<128x200xi32, #tpu.memory_space<vmem>>, vector<16xi32>,
      %parallel_loop3A_181 = tpu.vector_load_idx %arg8[%parallel_loop3A_180] : memref<128xi32, #tpu.memory_space<vmem>>[vector<16xi32>], vector<16xi32>,
      %parallel_loop3A_182 = arith.constant 144 : i32
      %parallel_loop3A_183 = arith.addi %parallel_loop3A_105, %parallel_loop3A_182 : i32
      %parallel_loop3A_184 = arith.index_cast %parallel_loop3A_183 : i32 to index
      %parallel_loop3A_185 = tpu.vector_load %arg6[%parallel_loop3A_184] {strides = array<i32>} : memref<25600xi32, #tpu.memory_space<vmem>>, vector<16xi32>,
      tpu.vector_store %arg6[%parallel_loop3A_184], %parallel_loop3A_181 {strides = array<i32>} : memref<25600xi32, #tpu.memory_space<vmem>>, vector<16xi32>,
      %parallel_loop3A_186 = arith.index_cast %parallel_loop3A_103 : i32 to index
      %parallel_loop3A_187 = arith.constant 160 : index
      %parallel_loop3A_188 = tpu.vector_load %arg5[%parallel_loop3A_186, %parallel_loop3A_187] {strides = array<i32>} : memref<128x200xi32, #tpu.memory_space<vmem>>, vector<16xi32>,
      %parallel_loop3A_189 = tpu.vector_load_idx %arg8[%parallel_loop3A_188] : memref<128xi32, #tpu.memory_space<vmem>>[vector<16xi32>], vector<16xi32>,
      %parallel_loop3A_190 = arith.constant 160 : i32
      %parallel_loop3A_191 = arith.addi %parallel_loop3A_105, %parallel_loop3A_190 : i32
      %parallel_loop3A_192 = arith.index_cast %parallel_loop3A_191 : i32 to index
      %parallel_loop3A_193 = tpu.vector_load %arg6[%parallel_loop3A_192] {strides = array<i32>} : memref<25600xi32, #tpu.memory_space<vmem>>, vector<16xi32>,
      tpu.vector_store %arg6[%parallel_loop3A_192], %parallel_loop3A_189 {strides = array<i32>} : memref<25600xi32, #tpu.memory_space<vmem>>, vector<16xi32>,
      %parallel_loop3A_194 = arith.index_cast %parallel_loop3A_103 : i32 to index
      %parallel_loop3A_195 = arith.constant 176 : index
      %parallel_loop3A_196 = tpu.vector_load %arg5[%parallel_loop3A_194, %parallel_loop3A_195] {strides = array<i32>} : memref<128x200xi32, #tpu.memory_space<vmem>>, vector<16xi32>,
      %parallel_loop3A_197 = tpu.vector_load_idx %arg8[%parallel_loop3A_196] : memref<128xi32, #tpu.memory_space<vmem>>[vector<16xi32>], vector<16xi32>,
      %parallel_loop3A_198 = arith.constant 176 : i32
      %parallel_loop3A_199 = arith.addi %parallel_loop3A_105, %parallel_loop3A_198 : i32
      %parallel_loop3A_200 = arith.index_cast %parallel_loop3A_199 : i32 to index
      %parallel_loop3A_201 = tpu.vector_load %arg6[%parallel_loop3A_200] {strides = array<i32>} : memref<25600xi32, #tpu.memory_space<vmem>>, vector<16xi32>,
      tpu.vector_store %arg6[%parallel_loop3A_200], %parallel_loop3A_197 {strides = array<i32>} : memref<25600xi32, #tpu.memory_space<vmem>>, vector<16xi32>,
      %parallel_loop3A_202 = arith.index_cast %parallel_loop3A_103 : i32 to index
      %parallel_loop3A_203 = arith.constant 184 : index
      %parallel_loop3A_204 = tpu.vector_load %arg5[%parallel_loop3A_202, %parallel_loop3A_203] {strides = array<i32>} : memref<128x200xi32, #tpu.memory_space<vmem>>, vector<16xi32>,
      %parallel_loop3A_205 = tpu.vector_load_idx %arg8[%parallel_loop3A_204] : memref<128xi32, #tpu.memory_space<vmem>>[vector<16xi32>], vector<16xi32>,
      %parallel_loop3A_206 = arith.constant 184 : i32
      %parallel_loop3A_207 = arith.addi %parallel_loop3A_105, %parallel_loop3A_206 : i32
      %parallel_loop3A_208 = arith.index_cast %parallel_loop3A_207 : i32 to index
      %parallel_loop3A_209 = tpu.vector_load %arg6[%parallel_loop3A_208] {strides = array<i32>} : memref<25600xi32, #tpu.memory_space<vmem>>, vector<16xi32>,
      tpu.vector_store %arg6[%parallel_loop3A_208], %parallel_loop3A_205 {strides = array<i32>} : memref<25600xi32, #tpu.memory_space<vmem>>, vector<16xi32>,
    } {sc.loop_unroll_factor = 2 : i64, sc.parallel_access}
    "tpu.region"() ({
      %run_scoped3A = tpu.sem_alloc : memref<!tpu.dma_semaphore, #tpu.memory_space<semaphore_mem>>
      %dma_start3A_103 = tpu.memref_slice %arg4[%mul3A_2] : memref<819200xi32, #tpu.memory_space<hbm>> -> memref<25600xi32, #tpu.memory_space<hbm>>
      %dma_start3A_104 = tpu.memref_slice %arg4[%mul3A_2] : memref<819200xi32, #tpu.memory_space<hbm>> -> memref<25600xi32, #tpu.memory_space<hbm>>
      tpu.enqueue_dma source(%arg6 : memref<25600xi32, #tpu.memory_space<vmem>>) target(%dma_start3A_104 : memref<25600xi32, #tpu.memory_space<hbm>>) target_semaphore(%run_scoped3A : memref<!tpu.dma_semaphore, #tpu.memory_space<semaphore_mem>>)
      %dma_wait3A_105 = tpu.memref_slice %arg4[%mul3A_2] : memref<819200xi32, #tpu.memory_space<hbm>> -> memref<25600xi32, #tpu.memory_space<hbm>>
      %dma_wait3A_106 = tpu.memref_slice %arg4[%mul3A_2] : memref<819200xi32, #tpu.memory_space<hbm>> -> memref<25600xi32, #tpu.memory_space<hbm>>
      tpu.wait_dma2 semaphore(%run_scoped3A : memref<!tpu.dma_semaphore, #tpu.memory_space<semaphore_mem>>) src(%arg6 : memref<25600xi32, #tpu.memory_space<vmem>>) dst(%dma_wait3A_106 : memref<25600xi32, #tpu.memory_space<hbm>>)
      tpu.yield
    }) : () -> ()
    return
  }
}

</mosaic_0001>

<sc_bundles>
// kernel: kernel.3.cloned.1.call-start
scs
__scs_entry_jumppad:
0x0: {  	(pc) =	sbr.rel $0x88, $3  }
0x1: {  	(tag) =	ssettag $0x0;
	lr =	simm.s32 $0x1  }
0x2: {  	[smem:$0x3F9F] =	sst lr;
	_ =	strace $0xD0000000  }
0x3: {  	_ = 	snop  }
0x4: {  	_ = 	snop  }
0x5: {  	_ = 	snop  }
0x6: {  	_ = 	snop  }
0x7: {  	_ = 	snop  }
__scs_overlays_trampoline_lowered:
0x8: {  	[smem:$0x3FAE] =	sst s0  }
0x9: {  	[smem:$0x3FAF] =	sst s1  }
0xa: {  	[smem:$0x3FB0] =	sst s2  }
0xb: {  	[smem:$0x3FB1] =	sst s3  }
0xc: {  	[smem:$0x3FB2] =	sst s4  }
0xd: {  	[smem:$0x3FB3] =	sst s5  }
0xe: {  	[smem:$0x3FB4] =	sst s6  }
0xf: {  	[smem:$0x3FB5] =	sst s7  }
0x10: {  	[smem:$0x3FB6] =	sst s8  }
0x11: {  	[smem:$0x3FB7] =	sst s9;
	s0 =	simm.s32 @!p0 $0x0  }
0x12: {  	s1 =	sld [smem:$0x3F9D];
	s0 =	simm.s32 @p0 $0x1  }
0x13: {  	[smem:$0x3FB8] =	sst s0;
	s0 =	simm.s32 @!p1 $0x0  }
0x14: {  	s2 =	sld [smem:$0x3F9C];
	s0 =	simm.s32 @p1 $0x1  }
0x15: {  	[smem:$0x3FB9] =	sst s0;
	s0 =	simm.s32 @!p2 $0x0  }
0x16: {  	s3 =	sld [smem:$0x3FDB];
	s0 =	simm.s32 @p2 $0x1  }
0x17: {  	s4 =	simm.s32 $0x1BF5;
	[smem:$0x3FBB] =	sst s0  }
0x18: {  	s0 =	sld [smem:$0x3F9E];
	_ =	swait.ge [sflag:s4], $0x0  }
0x19: {  	s7 =	sld [smem:$0x3F9F]  }
0x1a: {  	s8 =	sadd.s32 $0xFFFFE003, lr  }
0x1b: {  	s9 =	sadd.s32 $0xFFFFFEF7, lr;
	s5 =	simm.s32 $0xFFFFFFFF;
	p2 =	slt.u32 s8, $0xFFFFF086  }
0x1c: {  	p1 =	slt.u32 s9, $0xF7A;
	s5 =	simm.s32 @!p2 $0x0  }
0x1d: {  	s5 =	simm.s32 @p1 $0x1;
	p0 =	seq.s32 s7, s2  }
0x1e: {  	s7 =	smul.u32 @!p0 $0xF7A, s2;
	p2 =	seq.s32 @!p0 s5, $0x0  }
0x1f: {  	s9 =	smul.u32 $0xF7A, s1;
	s8 =	simm.s32 @!p0 $0x1BF5;
	p2 =	por !p2, p0  }
0x20: {  	[sflag:s8] =	ssyncset.s32 @!p0 $0xFFFFF086;
	s6 =	sadd.s32 @!p0 s3, s7;
	s7 =	simm.s32 @!p0 $0x108  }
0x21: {  	s3 =	sadd.s32 s3, s9;
	s6 =	sadd.s32 @!p0 $0x88, s6;
	s7 =	simm.s32 @p2 $0x1082  }
0x22: {  	[simem:s7], [sflag:s8] =	dma.local @!p0 [hbm:s6], $0xF7A  }
0x23: {  	s9 =	sor.u32 $0xD0000000, s2;
	s6 =	simm.s32 $0x108;
	_ =	swait.ge @!p0 [sflag:s8], $0x0  }
0x24: {  	s3 =	sadd.s32 $0x88, s3;
	s6 =	simm.s32 @!p1 $0x1082;
	[sflag:s4] =	ssyncset.s32 $0xFFFFF086  }
0x25: {  	[simem:s6], [sflag:s4] =	dma.local [hbm:s3], $0xF7A  }
0x26: {  	[smem:$0x3F9F] =	sst s1;
	(tag) =	ssettag s2;
	_ =	strace s9  }
0x27: {  	s1 =	sld [smem:$0x3FAF]  }
0x28: {  	s2 =	sld [smem:$0x3FB0]  }
0x29: {  	s4 =	sld [smem:$0x3FB2]  }
0x2a: {  	p0 =	seq.s32 s5, $0x0;
	s5 =	sld [smem:$0x3FB3]  }
0x2b: {  	s6 =	sld [smem:$0x3FB4]  }
0x2c: {  	s7 =	sld [smem:$0x3FB5]  }
0x2d: {  	s3 =	simm.s32 $0x108;
	s8 =	sld [smem:$0x3FB6]  }
0x2e: {  	s3 =	simm.s32 @!p0 $0x1082;
	s9 =	sld [smem:$0x3FB7]  }
0x2f: {  	lr =	sadd.s32 s0, s3;
	s0 =	sld [smem:$0x3FAE]  }
0x30: {  	s3 =	sld [smem:$0x3FB1]  }
0x31: {  	[smem:$0x3FBA] =	sst s10  }
0x32: {  	s10 =	sld [smem:$0x3FB8];
	_ =	sdelay $0x3  }
0x33: {  	p0 =	seq.s32 s10, $0x1;
	s10 =	sld [smem:$0x3FBA];
	_ =	sdelay $0x3  }
0x34: {  	[smem:$0x3FBA] =	sst s10  }
0x35: {  	s10 =	sld [smem:$0x3FB9];
	_ =	sdelay $0x3  }
0x36: {  	p1 =	seq.s32 s10, $0x1;
	s10 =	sld [smem:$0x3FBA];
	_ =	sdelay $0x3  }
0x37: {  	[smem:$0x3FBA] =	sst s10  }
0x38: {  	s10 =	sld [smem:$0x3FBB]  }
0x39: {  	_ = 	snop;
	(pc) =	sbr.ind lr, $3  }
0x3a: {  	_ = 	snop  }
0x3b: {  	_ = 	snop  }
0x3c: {  	p2 =	seq.s32 s10, $0x1;
	s10 =	sld [smem:$0x3FBA]  }
0x3d: {  	_ =	shalt  }
0x3e: {  	_ =	shalt  }
0x3f: {  	_ =	shalt  }
0x40: {  	_ =	shalt  }
0x41: {  	_ =	shalt  }
0x42: {  	_ =	shalt  }
0x43: {  	_ =	shalt  }
0x44: {  	_ =	shalt  }
0x45: {  	_ =	shalt  }
0x46: {  	_ =	shalt  }
0x47: {  	_ =	shalt  }
0x48: {  	_ =	shalt  }
0x49: {  	_ =	shalt  }
0x4a: {  	_ =	shalt  }
0x4b: {  	_ =	shalt  }
0x4c: {  	_ =	shalt  }
0x4d: {  	_ =	shalt  }
0x4e: {  	_ =	shalt  }
0x4f: {  	_ =	shalt  }
0x50: {  	_ =	shalt  }
0x51: {  	_ =	shalt  }
0x52: {  	_ =	shalt  }
0x53: {  	_ =	shalt  }
0x54: {  	_ =	shalt  }
0x55: {  	_ =	shalt  }
0x56: {  	_ =	shalt  }
0x57: {  	_ =	shalt  }
0x58: {  	_ =	shalt  }
0x59: {  	_ =	shalt  }
0x5a: {  	_ =	shalt  }
0x5b: {  	_ =	shalt  }
0x5c: {  	_ =	shalt  }
0x5d: {  	_ =	shalt  }
0x5e: {  	_ =	shalt  }
0x5f: {  	_ =	shalt  }
0x60: {  	_ =	shalt  }
0x61: {  	_ =	shalt  }
0x62: {  	_ =	shalt  }
0x63: {  	_ =	shalt  }
0x64: {  	_ =	shalt  }
0x65: {  	_ =	shalt  }
0x66: {  	_ =	shalt  }
0x67: {  	_ =	shalt  }
0x68: {  	_ =	shalt  }
0x69: {  	_ =	shalt  }
0x6a: {  	_ =	shalt  }
0x6b: {  	_ =	shalt  }
0x6c: {  	_ =	shalt  }
0x6d: {  	_ =	shalt  }
0x6e: {  	_ =	shalt  }
0x6f: {  	_ =	shalt  }
0x70: {  	_ =	shalt  }
0x71: {  	_ =	shalt  }
0x72: {  	_ =	shalt  }
0x73: {  	_ =	shalt  }
0x74: {  	_ =	shalt  }
0x75: {  	_ =	shalt  }
0x76: {  	_ =	shalt  }
0x77: {  	_ =	shalt  }
0x78: {  	_ =	shalt  }
0x79: {  	_ =	shalt  }
0x7a: {  	_ =	shalt  }
0x7b: {  	_ =	shalt  }
0x7c: {  	_ =	shalt  }
0x7d: {  	_ =	shalt  }
0x7e: {  	_ =	shalt  }
0x7f: {  	_ =	shalt  }
0x80: {  	_ =	shalt  }
0x81: {  	_ =	shalt  }
0x82: {  	_ =	shalt  }
0x83: {  	_ =	shalt  }
0x84: {  	_ =	shalt  }
0x85: {  	_ =	shalt  }
0x86: {  	_ =	shalt  }
0x87: {  	_ =	shalt  }
.Lfunc_end0:
.L_simem_size_0:
called_computation_lowered:
.L_overlay_start_0:
0x88: {  	s2 =	sld [smem:$0x3FD9]  }
0x89: {  	s3 =	sld [smem:$0x3FFE];
	_ =	sdelay $0x1  }
0x8a: {  	s1 =	srdreg.scid  }
0x8b: {  	s0 =	sand.u32 $0x1, s1  }
0x8c: {  	s17 =	sshll.u32 s0, $0xA;
	s2 =	sadd.s32 s3, s2  }
0x8d: {  	s2 =	sadd.s32 s2, s17  }
0x8e: {  	[smem:$0x3FC6] =	sst s2  }
0x8f: {  	_ = 	snop  }
0x90: {  	s2 =	sld [smem:$0x3FC8]  }
0x91: {  	s18 =	sld [smem:$0x3FD0];
	(tm) =	ssettm $0x1  }
0x92: {  	s4 =	sld [smem:$0x3FFB];
	_ =	sdelay $0x3  }
0x93: {  	_ =	strace s4  }
0x94: {  	s4 =	sld [smem:$0x3FFC];
	_ =	sdelay $0x3  }
0x95: {  	_ =	strace s4  }
0x96: {  	s4 =	sld [smem:$0x3FFD];
	_ =	sdelay $0x3  }
0x97: {  	_ =	strace s4  }
0x98: {  	_ =	strace $0x8FFFFFFF  }
0x99: {  	s19 =	sld [smem:$0x3FDB];
	_ =	sdelay $0x1  }
0x9a: {  	s5 =	simm.s32 $_scs_section_size  }
0x9b: {  	s6 =	simm.s32 $_size__tile_overlayer_lowered;
	s7 =	simm.s32 $_tile_overlayer_lowered  }
0x9c: {  	s22 =	simm.s32 $0x1BFF;
	s21 =	sshll.u32 s7, $0x1;
	s4 =	sadd.s32 s5, s19  }
0x9d: {  	s8 =	simm.s32 $0x0;
	s20 =	sshll.u32 s6, $0x1;
	s6 =	sadd.s32 s21, s4  }
0x9e: {  	[timem:s8], [sflag:s22] =	dma.local [hbm:s6], s20  }
0x9f: {  	_ =	swait.ge [sflag:s22], s20  }
0xa0: {  	s5 =	ssub.s32 $0x0, s20;
	[sflag:s22] =	ssyncset.done $0x0  }
0xa1: {  	[sflag:s22] =	ssyncadd.s32 s5;
	_ =	sdelay $0x1  }
0xa2: {  	s23 =	simm.s32 $0x1B8B  }
0xa3: {  	_ =	swait.ge [sflag:s23], $0x1  }
0xa4: {  	[sflag:s23] =	ssyncset.done $0x0  }
0xa5: {  	s25 =	simm.s32 $0x1B8E;
	s24 =	sld [smem:$0x3FFE];
	[sflag:s23] =	ssyncadd.s32 $0xFFFFFFFF  }
0xa6: {  	s26 =	simm.s32 $execute0_lowered;
	[smem:$0x3FD2] =	sst s25  }
0xa7: {  	s6 =	sshll.u32 s26, $0x1;
	_ =	strace $0x80000046;
	[dreg:$0x1] =	wrdreg $0xFFFFFFFF  }
0xa8: {  	s28 =	simm.s32 $_size_execute0_lowered;
	s4 =	sadd.s32 s4, s6;
	[dreg:$0x0] =	wrdreg $0x0  }
0xa9: {  	s6 =	sshll.u32 s28, $0x1;
	[dreg:$0x2] =	wrdreg s4  }
0xaa: {  	[dreg:$0x3] =	wrdreg s6  }
0xab: {  	[dreg:$0x4] =	wrdreg $0xC0  }
0xac: {  	_ =	task [dreg:s8], $0x5FFFF  }
0xad: {  	[dreg:$0x1] =	wrdreg $0xFFFFFFFF  }
0xae: {  	[dreg:$0x0] =	wrdreg $0x60  }
0xaf: {  	[dreg:$0x2] =	wrdreg s24  }
0xb0: {  	[dreg:$0x3] =	wrdreg s2  }
0xb1: {  	[dreg:$0x4] =	wrdreg s18  }
0xb2: {  	[dreg:$0x5] =	wrdreg $0x9  }
0xb3: {  	_ =	task.clear_ibuf [dreg:s8], $0x6FFFF;
	_ =	strace $0x90000046  }
0xb4: {  	s29 =	simm.s32 $0x9;
	_ =	strace $0x80000048  }
0xb5: {  	_ =	swait.ge [sflag:s29], $0x1  }
0xb6: {  	[sflag:s29] =	ssyncadd.s32 $0xFFFFFFFF  }
0xb7: {  	_ =	strace $0x90000048  }
0xb8: {  	_ =	sfence  }
0xb9: {  	s30 =	sld [smem:$0x0];
	_ =	sdelay $0x2  }
0xba: {  	s31 =	sshll.u32 s1, $0xD;
	s1 =	sshrl.u32 s1, $0x2  }
0xbb: {  	s3 =	sand.u32 $0x4000, s31;
	s1 =	sadd.s32 s1, s30  }
0xbc: {  	s0 =	sor.u32 s3, s0;
	s1 =	sshll.u32 s1, $0x11  }
0xbd: {  	s0 =	sor.u32 s1, s0  }
0xbe: {  	s0 =	sadd.s32 $0x8F2B, s0  }
0xbf: {  	[sflag:s0] =	ssyncadd.remote.s32 $0x1  }
0xc0: {  	_ =	sfence.sel $0xFFFF  }
0xc1: {  	[dreg:$0x0] =	wrdreg $0xFFFFFFFF;
	(pc) =	sbr.abs _section_cstart, $3  }
0xc2: {  	[dreg:$0x1] =	wrdreg $0xFFFFFFFF  }
0xc3: {  	_ =	task.clear_ibuf [dreg:s8], $0x2FFFF;
	_ =	strace $0x9FFFFFFF  }
0xc4: {  	(tm) =	ssettm $0x7FFFFFFF  }
0xc5: {  	_ =	shalt  }
tec
execute0_lowered:
.L_overlay_start_1:
0x0: {  	(tag) =	ssettag $0x1  }
0x1: {  	s4 =	rddreg [dreg:$0x0]  }
0x2: {  	s2 =	rddreg [dreg:$0x1]  }
0x3: {  	s5 =	rddreg [dreg:$0x2]  }
0x4: {  	s0 =	rddreg [dreg:$0x3]  }
0x5: {  	s6 =	srdreg.scid;
	s1 =	stileid.u32  }
0x6: {  	s3 =	simm.s32 $0x0;
	s10 =	simm.s32 $0x1;
	s11 =	simm.s32 $0x8000  }
0x7: {  	s12 =	simm.s32 $0x0;
	s6 =	sand.u32 $0x1, s6;
	s7 =	sshll.u32 s1, $0x1  }
0x8: {  	[smem:$0x7FF] =	sst s3;
	s7 =	sor.u32 s6, s7;
	s6 =	ssub.s32 $0x2, s6  }
0x9: {  	_ =	strace $0x80000047;
	s8 =	sshll.u32 s7, $0xC;
	s9 =	sshrl.u32 s6, $0x1  }
0xa: {  	v0 =	vimm.s32 $0x0;
	v1 =	vlaneseq.u32;
	s7 =	smul.u32 $0xC80, s7;
	s4 =	sadd.s32 s8, s4;
	s6 =	ssub.s32 s6, s9  }
0xb: {  	v2 =	vor.u32 $0x60, v1;
	v3 =	vor.u32 $0x50, v1;
	v4 =	vor.u32 $0x40, v1;
	s8 =	simm.s32 $0x2;
	s9 =	simm.s32 $0xE480;
	s4 =	sadd.s32 $0x400, s4  }
0xc: {  	v5 =	vor.u32 $0x30, v1;
	v6 =	vor.u32 $0x20, v1;
	v7 =	vor.u32 $0x10, v1;
	s5 =	sadd.s32 s5, s7;
	s6 =	smax.u32 s6, $0x1;
	s7 =	simm.s32 $0xE400  }
.LBB2_1:
0xd: {  	[tilespmem:s3], [sflag:$0x1] =	stream.linear.gather [hbm4b:s4+s3], $0x8000, $0x38;
	[tilespmem:$0xE500] =	vst v63  }
0xe: {  	[tilespmem:$0xE480] =	vst v0  }
0xf: {  	[tilespmem:$0xE490] =	vst v0  }
0x10: {  	[tilespmem:$0xE4A0] =	vst v0  }
0x11: {  	[tilespmem:$0xE4B0] =	vst v0  }
0x12: {  	[tilespmem:$0xE4C0] =	vst v0  }
0x13: {  	[tilespmem:$0xE4D0] =	vst v0  }
0x14: {  	[tilespmem:$0xE4E0] =	vst v0  }
0x15: {  	[tilespmem:$0xE4F0] =	vst v0  }
0x16: {  	[tilespmem:s7], [sflag:$0x2] =	stream.linear.gather [hbm4b:s2+s3], $0x64, $0x38;
	[tilespmem:$0xE500] =	vst v63  }
0x17: {  	_ =	swait.ge [sflag:s8], $0x64  }
0x18: {  	[sflag:s8] =	ssyncset.done $0x0  }
0x19: {  	[sflag:s8] =	ssyncadd.s32 $0xFFFFFF9C  }
0x1a: {  	v8 =	vld [tilespmem:$0xE460];
	_ =	sdelay $0x4  }
0x1b: {  	v8 =	vand.u32 $0x7F, v8;
	_ =	sdelay $0x4  }
0x1c: {  	[tilespmem:v8+s9+$0x0] =	vst.idx.msk $0xf, v2  }
0x1d: {  	v8 =	vld [tilespmem:$0xE450];
	_ =	sdelay $0x4  }
0x1e: {  	v8 =	vand.u32 $0x7F, v8;
	_ =	sdelay $0x4  }
0x1f: {  	[tilespmem:v8+s9+$0x0] =	vst.idx.msk $0xffff, v3  }
0x20: {  	v8 =	vld [tilespmem:$0xE440];
	_ =	sdelay $0x4  }
0x21: {  	v8 =	vand.u32 $0x7F, v8;
	_ =	sdelay $0x4  }
0x22: {  	[tilespmem:v8+s9+$0x0] =	vst.idx.msk $0xffff, v4  }
0x23: {  	v8 =	vld [tilespmem:$0xE430];
	_ =	sdelay $0x4  }
0x24: {  	v8 =	vand.u32 $0x7F, v8;
	_ =	sdelay $0x4  }
0x25: {  	[tilespmem:v8+s9+$0x0] =	vst.idx.msk $0xffff, v5  }
0x26: {  	v8 =	vld [tilespmem:$0xE420];
	_ =	sdelay $0x4  }
0x27: {  	v8 =	vand.u32 $0x7F, v8;
	_ =	sdelay $0x4  }
0x28: {  	[tilespmem:v8+s9+$0x0] =	vst.idx.msk $0xffff, v6  }
0x29: {  	v8 =	vld [tilespmem:$0xE410];
	_ =	sdelay $0x4  }
0x2a: {  	v8 =	vand.u32 $0x7F, v8;
	_ =	sdelay $0x4  }
0x2b: {  	[tilespmem:v8+s9+$0x0] =	vst.idx.msk $0xffff, v7  }
0x2c: {  	v8 =	vld [tilespmem:$0xE400];
	_ =	sdelay $0x4  }
0x2d: {  	v8 =	vand.u32 $0x7F, v8;
	_ =	sdelay $0x4  }
0x2e: {  	[tilespmem:v8+s9+$0x0] =	vst.idx.msk $0xffff, v1  }
0x2f: {  	s13 =	simm.s32 $0x0;
	s14 =	sand.u32 $0x7800, s3;
	_ =	swait.ge [sflag:s10], $0x8000  }
0x30: {  	s20 =	simm.s32 $0x80;
	s13 =	sand.u32 $0x300, s13;
	[sflag:s10] =	ssyncset.done $0x0  }
0x31: {  	s23 =	sor.u32 s13, s14;
	s13 =	sand.u32 $0x380, s20;
	[sflag:s10] =	ssyncadd.s32 $0xFFFF8000  }
0x32: {  	s22 =	sor.u32 s13, s14;
	v8 =	vld [tilespmem:s23+$0x0]  }
0x33: {  	v9 =	vld [tilespmem:s22+$0x0];
	_ =	sdelay $0x6  }
0x34: {  	v8 =	vld.idx.msk [tilespmem:v8+s9+$0x0], $0xffff  }
0x35: {  	v9 =	vld.idx.msk [tilespmem:v9+s9+$0x0], $0xffff;
	_ =	sdelay $0x2  }
0x36: {  	s13 =	simm.s32 $0x80C8  }
0x37: {  	[tilespmem:s13+$0xFFFFFF38] =	vst v8  }
0x38: {  	[tilespmem:s13+$0x0] =	vst v9;
	v8 =	vld [tilespmem:s23+$0x10]  }
0x39: {  	v9 =	vld [tilespmem:s22+$0x10];
	_ =	sdelay $0x6  }
0x3a: {  	v8 =	vld.idx.msk [tilespmem:v8+s9+$0x0], $0xffff  }
0x3b: {  	v9 =	vld.idx.msk [tilespmem:v9+s9+$0x0], $0xffff;
	_ =	sdelay $0x3  }
0x3c: {  	s21 =	simm.s32 $0x100;
	s15 =	simm.s32 $0x200;
	[tilespmem:s13+$0xFFFFFF48] =	vst v8  }
0x3d: {  	s15 =	sand.u32 $0x7800, s15;
	s14 =	sand.u32 $0x300, s21;
	[tilespmem:s13+$0x10] =	vst v9;
	v8 =	vld [tilespmem:s23+$0x20]  }
0x3e: {  	s25 =	sor.u32 s14, s15;
	v9 =	vld [tilespmem:s22+$0x20]  }
0x3f: {  	s24 =	simm.s32 $0x180;
	v10 =	vld [tilespmem:s25+$0x0]  }
0x40: {  	s14 =	sand.u32 $0x380, s24  }
0x41: {  	s15 =	sor.u32 s14, s15  }
0x42: {  	v11 =	vld [tilespmem:s15+$0x0];
	_ =	sdelay $0x2  }
0x43: {  	v8 =	vld.idx.msk [tilespmem:v8+s9+$0x0], $0xffff  }
0x44: {  	v9 =	vld.idx.msk [tilespmem:v9+s9+$0x0], $0xffff  }
0x45: {  	v10 =	vld.idx.msk [tilespmem:v10+s9+$0x0], $0xffff;
	_ =	sdelay $0x2  }
0x46: {  	v11 =	vld.idx.msk [tilespmem:v11+s9+$0x0], $0xffff;
	[tilespmem:s13+$0xFFFFFF58] =	vst v8  }
0x47: {  	s14 =	simm.s32 $0x8258;
	[tilespmem:s13+$0x20] =	vst v9;
	v8 =	vld [tilespmem:s23+$0x30]  }
0x48: {  	[tilespmem:s14+$0xFFFFFF38] =	vst v10;
	v9 =	vld [tilespmem:s22+$0x30]  }
0x49: {  	v10 =	vld [tilespmem:s25+$0x10];
	_ =	sdelay $0x1  }
0x4a: {  	[tilespmem:s14+$0x0] =	vst v11  }
0x4b: {  	v11 =	vld [tilespmem:s15+$0x10];
	_ =	sdelay $0x2  }
0x4c: {  	v8 =	vld.idx.msk [tilespmem:v8+s9+$0x0], $0xffff  }
0x4d: {  	v9 =	vld.idx.msk [tilespmem:v9+s9+$0x0], $0xffff  }
0x4e: {  	v10 =	vld.idx.msk [tilespmem:v10+s9+$0x0], $0xffff;
	_ =	sdelay $0x2  }
0x4f: {  	v11 =	vld.idx.msk [tilespmem:v11+s9+$0x0], $0xffff;
	[tilespmem:s13+$0xFFFFFF68] =	vst v8  }
0x50: {  	[tilespmem:s13+$0x30] =	vst v9;
	v8 =	vld [tilespmem:s23+$0x40]  }
0x51: {  	[tilespmem:s14+$0xFFFFFF48] =	vst v10;
	v9 =	vld [tilespmem:s22+$0x40]  }
0x52: {  	v10 =	vld [tilespmem:s25+$0x20];
	_ =	sdelay $0x1  }
0x53: {  	[tilespmem:s14+$0x10] =	vst v11  }
0x54: {  	v11 =	vld [tilespmem:s15+$0x20];
	_ =	sdelay $0x2  }
0x55: {  	v8 =	vld.idx.msk [tilespmem:v8+s9+$0x0], $0xffff  }
0x56: {  	v9 =	vld.idx.msk [tilespmem:v9+s9+$0x0], $0xffff  }
0x57: {  	v10 =	vld.idx.msk [tilespmem:v10+s9+$0x0], $0xffff;
	_ =	sdelay $0x2  }
0x58: {  	v11 =	vld.idx.msk [tilespmem:v11+s9+$0x0], $0xffff;
	[tilespmem:s13+$0xFFFFFF78] =	vst v8  }
0x59: {  	[tilespmem:s13+$0x40] =	vst v9;
	v8 =	vld [tilespmem:s23+$0x50]  }
0x5a: {  	s16 =	simm.s32 $0x200;
	s17 =	simm.s32 $0x400;
	[tilespmem:s14+$0xFFFFFF58] =	vst v10;
	v9 =	vld [tilespmem:s22+$0x50]  }
0x5b: {  	s18 =	sand.u32 $0x7800, s17;
	s16 =	sand.u32 $0x300, s16;
	v10 =	vld [tilespmem:s25+$0x30]  }
0x5c: {  	s17 =	sor.u32 s16, s18  }
0x5d: {  	v12 =	vld [tilespmem:s17+$0x0];
	[tilespmem:s14+$0x20] =	vst v11  }
0x5e: {  	v11 =	vld [tilespmem:s15+$0x30];
	_ =	sdelay $0x2  }
0x5f: {  	s26 =	simm.s32 $0x280;
	v8 =	vld.idx.msk [tilespmem:v8+s9+$0x0], $0xffff  }
0x60: {  	s16 =	sand.u32 $0x380, s26;
	v9 =	vld.idx.msk [tilespmem:v9+s9+$0x0], $0xffff  }
0x61: {  	s18 =	sor.u32 s16, s18;
	v10 =	vld.idx.msk [tilespmem:v10+s9+$0x0], $0xffff  }
0x62: {  	v13 =	vld [tilespmem:s18+$0x0]  }
0x63: {  	v12 =	vld.idx.msk [tilespmem:v12+s9+$0x0], $0xffff  }
0x64: {  	v11 =	vld.idx.msk [tilespmem:v11+s9+$0x0], $0xffff;
	[tilespmem:s13+$0xFFFFFF88] =	vst v8  }
0x65: {  	[tilespmem:s13+$0x50] =	vst v9;
	v8 =	vld [tilespmem:s23+$0x60]  }
0x66: {  	[tilespmem:s14+$0xFFFFFF68] =	vst v10;
	v9 =	vld [tilespmem:s22+$0x60]  }
0x67: {  	v10 =	vld [tilespmem:s25+$0x40];
	_ =	sdelay $0x1  }
0x68: {  	s16 =	simm.s32 $0x83E8;
	[tilespmem:s14+$0x30] =	vst v11  }
0x69: {  	[tilespmem:s16+$0xFFFFFF38] =	vst v12;
	v12 =	vld [tilespmem:s15+$0x40]  }
0x6a: {  	v13 =	vld.idx.msk [tilespmem:v13+s9+$0x0], $0xffff;
	_ =	sdelay $0x1  }
0x6b: {  	v8 =	vld.idx.msk [tilespmem:v8+s9+$0x0], $0xffff  }
0x6c: {  	v9 =	vld.idx.msk [tilespmem:v9+s9+$0x0], $0xffff  }
0x6d: {  	v10 =	vld.idx.msk [tilespmem:v10+s9+$0x0], $0xffff  }
0x6e: {  	[tilespmem:s16+$0x0] =	vst v13  }
0x6f: {  	v13 =	vld [tilespmem:s18+$0x10]  }
0x70: {  	v12 =	vld.idx.msk [tilespmem:v12+s9+$0x0], $0xffff;
	[tilespmem:s13+$0xFFFFFF98] =	vst v8  }
0x71: {  	[tilespmem:s13+$0x60] =	vst v9;
	v9 =	vld [tilespmem:s17+$0x10]  }
0x72: {  	[tilespmem:s14+$0xFFFFFF78] =	vst v10;
	v8 =	vld [tilespmem:s23+$0x70]  }
0x73: {  	v10 =	vld [tilespmem:s25+$0x50]  }
0x74: {  	v11 =	vld [tilespmem:s22+$0x70]  }
0x75: {  	[tilespmem:s14+$0x40] =	vst v12  }
0x76: {  	v12 =	vld [tilespmem:s15+$0x50]  }
0x77: {  	v13 =	vld.idx.msk [tilespmem:v13+s9+$0x0], $0xffff;
	_ =	sdelay $0x1  }
0x78: {  	v9 =	vld.idx.msk [tilespmem:v9+s9+$0x0], $0xffff  }
0x79: {  	v8 =	vld.idx.msk [tilespmem:v8+s9+$0x0], $0xffff  }
0x7a: {  	v10 =	vld.idx.msk [tilespmem:v10+s9+$0x0], $0xffff  }
0x7b: {  	[tilespmem:s16+$0x10] =	vst v13;
	v11 =	vld.idx.msk [tilespmem:v11+s9+$0x0], $0xffff  }
0x7c: {  	v13 =	vld [tilespmem:s18+$0x20]  }
0x7d: {  	v12 =	vld.idx.msk [tilespmem:v12+s9+$0x0], $0xffff;
	[tilespmem:s16+$0xFFFFFF48] =	vst v9  }
0x7e: {  	[tilespmem:s13+$0xFFFFFFA8] =	vst v8;
	v9 =	vld [tilespmem:s17+$0x20]  }
0x7f: {  	[tilespmem:s14+$0xFFFFFF88] =	vst v10;
	v8 =	vld [tilespmem:s23+$0x400]  }
0x80: {  	v10 =	vld [tilespmem:s25+$0x60];
	[tilespmem:s13+$0x70] =	vst v11  }
0x81: {  	v11 =	vld [tilespmem:s22+$0x400]  }
0x82: {  	[tilespmem:s14+$0x50] =	vst v12  }
0x83: {  	v12 =	vld [tilespmem:s15+$0x60]  }
0x84: {  	v13 =	vld.idx.msk [tilespmem:v13+s9+$0x0], $0xffff;
	_ =	sdelay $0x1  }
0x85: {  	v9 =	vld.idx.msk [tilespmem:v9+s9+$0x0], $0xffff  }
0x86: {  	v8 =	vld.idx.msk [tilespmem:v8+s9+$0x0], $0xffff  }
0x87: {  	v10 =	vld.idx.msk [tilespmem:v10+s9+$0x0], $0xffff  }
0x88: {  	[tilespmem:s16+$0x20] =	vst v13;
	v11 =	vld.idx.msk [tilespmem:v11+s9+$0x0], $0xffff  }
0x89: {  	s19 =	simm.s32 $0x0;
	v13 =	vld [tilespmem:s18+$0x30]  }
0x8a: {  	s19 =	sand.u32 $0x7FF0, s19;
	v12 =	vld.idx.msk [tilespmem:v12+s9+$0x0], $0xffff;
	[tilespmem:s16+$0xFFFFFF58] =	vst v9  }
0x8b: {  	s30 =	simm.s32 $0xC8;
	[tilespmem:s19+$0x8080] =	vst v8;
	v9 =	vld [tilespmem:s17+$0x30]  }
0x8c: {  	s31 =	simm.s32 $0x300;
	s20 =	simm.s32 $0x600;
	[tilespmem:s14+$0xFFFFFF98] =	vst v10;
	s19 =	sand.u32 $0x7FF8, s30;
	v8 =	vld [tilespmem:s23+$0x410]  }
0x8d: {  	s21 =	simm.s32 $0x380;
	s24 =	sand.u32 $0x7800, s20;
	v10 =	vld [tilespmem:s25+$0x70];
	[tilespmem:s19+$0x8080] =	vst v11;
	s19 =	sand.u32 $0x300, s31  }
0x8e: {  	s21 =	sand.u32 $0x380, s21;
	v11 =	vld [tilespmem:s22+$0x410];
	s20 =	sor.u32 s19, s24  }
0x8f: {  	s19 =	sor.u32 s21, s24;
	v14 =	vld [tilespmem:s20+$0x0]  }
0x90: {  	v15 =	vld [tilespmem:s19+$0x0]  }
0x91: {  	v13 =	vld.idx.msk [tilespmem:v13+s9+$0x0], $0xffff;
	[tilespmem:s14+$0x60] =	vst v12  }
0x92: {  	v12 =	vld [tilespmem:s15+$0x70]  }
0x93: {  	v9 =	vld.idx.msk [tilespmem:v9+s9+$0x0], $0xffff  }
0x94: {  	v8 =	vld.idx.msk [tilespmem:v8+s9+$0x0], $0xffff  }
0x95: {  	v10 =	vld.idx.msk [tilespmem:v10+s9+$0x0], $0xffff  }
0x96: {  	v11 =	vld.idx.msk [tilespmem:v11+s9+$0x0], $0xffff  }
0x97: {  	v14 =	vld.idx.msk [tilespmem:v14+s9+$0x0], $0xffff  }
0x98: {  	v15 =	vld.idx.msk [tilespmem:v15+s9+$0x0], $0xffff;
	[tilespmem:s16+$0xFFFFFF68] =	vst v9  }
0x99: {  	[tilespmem:s13+$0xFFFFFFC8] =	vst v8;
	v9 =	vld [tilespmem:s17+$0x40]  }
0x9a: {  	[tilespmem:s16+$0x30] =	vst v13;
	v8 =	vld [tilespmem:s23+$0x420]  }
0x9b: {  	s21 =	simm.s32 $0x8578;
	[tilespmem:s13+$0x90] =	vst v11;
	v11 =	vld [tilespmem:s18+$0x40]  }
0x9c: {  	[tilespmem:s21+$0xFFFFFF38] =	vst v14;
	v13 =	vld [tilespmem:s22+$0x420]  }
0x9d: {  	[tilespmem:s21+$0x0] =	vst v15;
	v14 =	vld [tilespmem:s20+$0x10]  }
0x9e: {  	v15 =	vld [tilespmem:s19+$0x10]  }
0x9f: {  	v12 =	vld.idx.msk [tilespmem:v12+s9+$0x0], $0xffff;
	[tilespmem:s14+$0xFFFFFFA8] =	vst v10  }
0xa0: {  	v10 =	vld [tilespmem:s25+$0x400]  }
0xa1: {  	v9 =	vld.idx.msk [tilespmem:v9+s9+$0x0], $0xffff  }
0xa2: {  	v8 =	vld.idx.msk [tilespmem:v8+s9+$0x0], $0xffff  }
0xa3: {  	v11 =	vld.idx.msk [tilespmem:v11+s9+$0x0], $0xffff  }
0xa4: {  	v13 =	vld.idx.msk [tilespmem:v13+s9+$0x0], $0xffff  }
0xa5: {  	[tilespmem:s14+$0x70] =	vst v12;
	v14 =	vld.idx.msk [tilespmem:v14+s9+$0x0], $0xffff  }
0xa6: {  	v15 =	vld.idx.msk [tilespmem:v15+s9+$0x0], $0xffff;
	[tilespmem:s16+$0xFFFFFF78] =	vst v9  }
0xa7: {  	[tilespmem:s13+$0xFFFFFFD8] =	vst v8;
	v9 =	vld [tilespmem:s17+$0x50]  }
0xa8: {  	[tilespmem:s16+$0x40] =	vst v11;
	v8 =	vld [tilespmem:s23+$0x430]  }
0xa9: {  	v11 =	vld [tilespmem:s18+$0x50];
	[tilespmem:s13+$0xA0] =	vst v13  }
0xaa: {  	v13 =	vld [tilespmem:s15+$0x400];
	[tilespmem:s21+$0xFFFFFF48] =	vst v14  }
0xab: {  	v12 =	vld [tilespmem:s20+$0x20]  }
0xac: {  	v14 =	vld [tilespmem:s22+$0x430]  }
0xad: {  	v10 =	vld.idx.msk [tilespmem:v10+s9+$0x0], $0xffff;
	[tilespmem:s21+$0x10] =	vst v15  }
0xae: {  	v15 =	vld [tilespmem:s19+$0x20]  }
0xaf: {  	v9 =	vld.idx.msk [tilespmem:v9+s9+$0x0], $0xffff  }
0xb0: {  	v8 =	vld.idx.msk [tilespmem:v8+s9+$0x0], $0xffff  }
0xb1: {  	v11 =	vld.idx.msk [tilespmem:v11+s9+$0x0], $0xffff  }
0xb2: {  	v13 =	vld.idx.msk [tilespmem:v13+s9+$0x0], $0xffff  }
0xb3: {  	v12 =	vld.idx.msk [tilespmem:v12+s9+$0x0], $0xffff  }
0xb4: {  	v14 =	vld.idx.msk [tilespmem:v14+s9+$0x0], $0xffff;
	[tilespmem:s16+$0xFFFFFF88] =	vst v9  }
0xb5: {  	s24 =	simm.s32 $0x190;
	[tilespmem:s13+$0xFFFFFFE8] =	vst v8;
	v9 =	vld [tilespmem:s17+$0x60]  }
0xb6: {  	[tilespmem:s16+$0x50] =	vst v11;
	v8 =	vld [tilespmem:s23+$0x438];
	s23 =	sand.u32 $0x7FF0, s24  }
0xb7: {  	v11 =	vld.idx.msk [tilespmem:v15+s9+$0x0], $0xffff;
	[tilespmem:s23+$0x8080] =	vst v10  }
0xb8: {  	s26 =	simm.s32 $0x258;
	[tilespmem:s21+$0xFFFFFF58] =	vst v12;
	v12 =	vld [tilespmem:s18+$0x60]  }
0xb9: {  	s23 =	sand.u32 $0x7FF8, s26;
	v10 =	vld [tilespmem:s25+$0x410]  }
0xba: {  	s30 =	simm.s32 $0x400;
	s26 =	simm.s32 $0x800;
	[tilespmem:s23+$0x8080] =	vst v13;
	v13 =	vld [tilespmem:s20+$0x30]  }
0xbb: {  	[tilespmem:s13+$0xB0] =	vst v14;
	s28 =	sand.u32 $0x7800, s26;
	s23 =	sand.u32 $0x300, s30;
	v15 =	vld [tilespmem:s15+$0x410]  }
0xbc: {  	s31 =	simm.s32 $0x480;
	s23 =	sor.u32 s23, s28;
	[tilespmem:s21+$0x20] =	vst v11;
	v11 =	vld [tilespmem:s22+$0x438]  }
0xbd: {  	s30 =	sand.u32 $0x380, s31;
	v16 =	vld [tilespmem:s23+$0x0]  }
0xbe: {  	s22 =	sor.u32 s30, s28;
	v14 =	vld [tilespmem:s19+$0x30]  }
0xbf: {  	v17 =	vld [tilespmem:s22+$0x0]  }
0xc0: {  	v9 =	vld.idx.msk [tilespmem:v9+s9+$0x0], $0xffff  }
0xc1: {  	v10 =	vld.idx.msk [tilespmem:v10+s9+$0x0], $0xffff  }
0xc2: {  	v8 =	vld.idx.msk [tilespmem:v8+s9+$0x0], $0xffff  }
0xc3: {  	v12 =	vld.idx.msk [tilespmem:v12+s9+$0x0], $0xffff  }
0xc4: {  	v13 =	vld.idx.msk [tilespmem:v13+s9+$0x0], $0xffff  }
0xc5: {  	v15 =	vld.idx.msk [tilespmem:v15+s9+$0x0], $0xffff  }
0xc6: {  	v16 =	vld.idx.msk [tilespmem:v16+s9+$0x0], $0xffff;
	[tilespmem:s14+$0xFFFFFFC8] =	vst v10  }
0xc7: {  	[tilespmem:s16+$0xFFFFFF98] =	vst v9;
	v10 =	vld [tilespmem:s25+$0x420]  }
0xc8: {  	v9 =	vld [tilespmem:s17+$0x70]  }
0xc9: {  	v14 =	vld.idx.msk [tilespmem:v14+s9+$0x0], $0xffff  }
0xca: {  	v17 =	vld.idx.msk [tilespmem:v17+s9+$0x0], $0xffff;
	[tilespmem:s16+$0x60] =	vst v12  }
0xcb: {  	[tilespmem:s21+$0xFFFFFF68] =	vst v13;
	v12 =	vld [tilespmem:s18+$0x70]  }
0xcc: {  	s24 =	simm.s32 $0x8708;
	v13 =	vld [tilespmem:s20+$0x40];
	[tilespmem:s14+$0x90] =	vst v15  }
0xcd: {  	[tilespmem:s24+$0xFFFFFF38] =	vst v16;
	v15 =	vld [tilespmem:s15+$0x420]  }
0xce: {  	v16 =	vld [tilespmem:s23+$0x10]  }
0xcf: {  	[tilespmem:s21+$0x30] =	vst v14;
	v10 =	vld.idx.msk [tilespmem:v10+s9+$0x0], $0xffff  }
0xd0: {  	v14 =	vld [tilespmem:s19+$0x40]  }
0xd1: {  	[tilespmem:s24+$0x0] =	vst v17;
	v9 =	vld.idx.msk [tilespmem:v9+s9+$0x0], $0xffff  }
0xd2: {  	v17 =	vld [tilespmem:s22+$0x10]  }
0xd3: {  	v12 =	vld.idx.msk [tilespmem:v12+s9+$0x0], $0xffff  }
0xd4: {  	v13 =	vld.idx.msk [tilespmem:v13+s9+$0x0], $0xffff;
	[tilespmem:s14+$0xFFFFFFD8] =	vst v10  }
0xd5: {  	v10 =	vld [tilespmem:s25+$0x430]  }
0xd6: {  	v15 =	vld.idx.msk [tilespmem:v15+s9+$0x0], $0xffff;
	[tilespmem:s16+$0xFFFFFFA8] =	vst v9  }
0xd7: {  	v9 =	vld [tilespmem:s17+$0x400]  }
0xd8: {  	v16 =	vld.idx.msk [tilespmem:v16+s9+$0x0], $0xffff  }
0xd9: {  	v14 =	vld.idx.msk [tilespmem:v14+s9+$0x0], $0xffff;
	[tilespmem:s21+$0xFFFFFF78] =	vst v13  }
0xda: {  	v13 =	vld [tilespmem:s20+$0x50]  }
0xdb: {  	v17 =	vld.idx.msk [tilespmem:v17+s9+$0x0], $0xffff;
	[tilespmem:s14+$0xA0] =	vst v15  }
0xdc: {  	v63 =	vld [tilespmem:s15+$0x430]  }
0xdd: {  	[tilespmem:s16+$0x70] =	vst v12;
	v10 =	vld.idx.msk [tilespmem:v10+s9+$0x0], $0xffff  }
0xde: {  	[tilespmem:s21+$0x40] =	vst v14;
	v14 =	vld [tilespmem:s18+$0x400]  }
0xdf: {  	[tilespmem:s24+$0xFFFFFF48] =	vst v16;
	v9 =	vld.idx.msk [tilespmem:v9+s9+$0x0], $0xffff  }
0xe0: {  	v15 =	vld [tilespmem:s23+$0x20]  }
0xe1: {  	v12 =	vld [tilespmem:s19+$0x50]  }
0xe2: {  	s31 =	simm.s32 $0x320;
	v13 =	vld.idx.msk [tilespmem:v13+s9+$0x0], $0xffff;
	[tilespmem:s14+$0xFFFFFFE8] =	vst v10  }
0xe3: {  	[tilespmem:s13+$0xFFFFFFF0] =	vst v8;
	v10 =	vld [tilespmem:s25+$0x438];
	s25 =	sand.u32 $0x7FF0, s31  }
0xe4: {  	v8 =	vld.idx.msk [tilespmem:v11+s9+$0x0], $0xffff;
	[tilespmem:s25+$0x8080] =	vst v9  }
0xe5: {  	[tilespmem:s24+$0x10] =	vst v17;
	v9 =	vld [tilespmem:s17+$0x410]  }
0xe6: {  	v17 =	vld [tilespmem:s22+$0x20]  }
0xe7: {  	v16 =	vld.idx.msk [tilespmem:v63+s9+$0x0], $0xffff;
	[tilespmem:s21+$0xFFFFFF88] =	vst v13  }
0xe8: {  	v18 =	vld [tilespmem:s20+$0x60]  }
0xe9: {  	v15 =	vld.idx.msk [tilespmem:v15+s9+$0x0], $0xffff  }
0xea: {  	v12 =	vld.idx.msk [tilespmem:v12+s9+$0x0], $0xffff  }
0xeb: {  	v14 =	vld.idx.msk [tilespmem:v14+s9+$0x0], $0xffff  }
0xec: {  	v10 =	vld.idx.msk [tilespmem:v10+s9+$0x0], $0xffff  }
0xed: {  	[tilespmem:s14+$0xB0] =	vst v16;
	v19 =	vld.idx.msk [tilespmem:v9+s9+$0x0], $0xffff  }
0xee: {  	v13 =	vld.idx.msk [tilespmem:v17+s9+$0x0], $0xffff;
	s25 =	simm.s32 $0x3E8;
	[tilespmem:s24+$0xFFFFFF58] =	vst v15  }
0xef: {  	[tilespmem:s21+$0x50] =	vst v12;
	s28 =	sand.u32 $0x7FF8, s25;
	v12 =	vld [tilespmem:s23+$0x30]  }
0xf0: {  	[tilespmem:s28+$0x8080] =	vst v14;
	v11 =	vld.idx.msk [tilespmem:v18+s9+$0x0], $0xffff  }
0xf1: {  	v9 =	vld [tilespmem:s18+$0x410];
	[tilespmem:s14+$0xFFFFFFF0] =	vst v10  }
0xf2: {  	s29 =	simm.s32 $0x580;
	s28 =	simm.s32 $0x8;
	v10 =	vld [tilespmem:s19+$0x60];
	[tilespmem:s16+$0xFFFFFFC8] =	vst v19  }
.LBB2_2:
0xf3: {  	s30 =	sadd.s32 $0xFFFFFF80, s29;
	s31 =	sand.u32 $0x380, s29;
	s26 =	sadd.s32 $0x200, s26;
	v14 =	vld [tilespmem:s17+$0x420];
	[tilespmem:s13+$0xB8] =	vst v8  }
0xf4: {  	s13 =	sand.u32 $0x7800, s26;
	s30 =	sand.u32 $0x300, s30;
	[tilespmem:s24+$0x20] =	vst v13;
	v8 =	vld [tilespmem:s15+$0x438];
	s15 =	smov.u32 s18  }
0xf5: {  	s18 =	smov.u32 s19;
	s30 =	sor.u32 s30, s13;
	s13 =	sor.u32 s31, s13;
	v13 =	vld [tilespmem:s22+$0x30]  }
0xf6: {  	s28 =	sadd.s32 $0x2, s28;
	s19 =	smov.u32 s22;
	v15 =	vld [tilespmem:s30+$0x0];
	s22 =	smov.u32 s13  }
0xf7: {  	p0 =	slt.u32 s28, $0x7E;
	s13 =	smov.u32 s14;
	s14 =	smov.u32 s16;
	v16 =	vld [tilespmem:s22+$0x0]  }
0xf8: {  	s16 =	smov.u32 s21;
	v12 =	vld.idx.msk [tilespmem:v12+s9+$0x0], $0xffff;
	[tilespmem:s21+$0xFFFFFF98] =	vst v11;
	s21 =	smov.u32 s24  }
0xf9: {  	v11 =	vld [tilespmem:s20+$0x70]  }
0xfa: {  	v10 =	vld.idx.msk [tilespmem:v10+s9+$0x0], $0xffff  }
0xfb: {  	v14 =	vld.idx.msk [tilespmem:v14+s9+$0x0], $0xffff  }
0xfc: {  	v9 =	vld.idx.msk [tilespmem:v9+s9+$0x0], $0xffff  }
0xfd: {  	v13 =	vld.idx.msk [tilespmem:v13+s9+$0x0], $0xffff  }
0xfe: {  	v15 =	vld.idx.msk [tilespmem:v15+s9+$0x0], $0xffff;
	[tilespmem:s24+$0xFFFFFF68] =	vst v12  }
0xff: {  	v12 =	vld [tilespmem:s23+$0x40]  }
0x100: {  	v16 =	vld.idx.msk [tilespmem:v16+s9+$0x0], $0xffff;
	[tilespmem:s16+$0x60] =	vst v10  }
0x101: {  	v10 =	vld.idx.msk [tilespmem:v11+s9+$0x0], $0xffff;
	[tilespmem:s14+$0xFFFFFFD8] =	vst v14  }
0x102: {  	v11 =	vld [tilespmem:s17+$0x430];
	[tilespmem:s14+$0x90] =	vst v9  }
0x103: {  	[tilespmem:s24+$0x30] =	vst v13;
	v9 =	vld [tilespmem:s18+$0x70]  }
0x104: {  	s24 =	sadd.s32 $0x190, s24;
	v13 =	vld [tilespmem:s19+$0x40]  }
0x105: {  	[tilespmem:s24+$0xFFFFFF38] =	vst v15;
	v14 =	vld [tilespmem:s15+$0x420]  }
0x106: {  	v15 =	vld [tilespmem:s30+$0x10];
	[tilespmem:s24+$0x0] =	vst v16  }
0x107: {  	v12 =	vld.idx.msk [tilespmem:v12+s9+$0x0], $0xffff;
	[tilespmem:s16+$0xFFFFFFA8] =	vst v10  }
0x108: {  	v10 =	vld [tilespmem:s20+$0x400]  }
0x109: {  	v16 =	vld [tilespmem:s22+$0x10]  }
0x10a: {  	v11 =	vld.idx.msk [tilespmem:v11+s9+$0x0], $0xffff  }
0x10b: {  	v9 =	vld.idx.msk [tilespmem:v9+s9+$0x0], $0xffff  }
0x10c: {  	v13 =	vld.idx.msk [tilespmem:v13+s9+$0x0], $0xffff  }
0x10d: {  	v14 =	vld.idx.msk [tilespmem:v14+s9+$0x0], $0xffff  }
0x10e: {  	v15 =	vld.idx.msk [tilespmem:v15+s9+$0x0], $0xffff;
	[tilespmem:s21+$0xFFFFFF78] =	vst v12  }
0x10f: {  	v12 =	vld [tilespmem:s23+$0x50]  }
0x110: {  	v10 =	vld.idx.msk [tilespmem:v10+s9+$0x0], $0xffff;
	[tilespmem:s14+$0xFFFFFFE8] =	vst v11  }
0x111: {  	[tilespmem:s16+$0x70] =	vst v9;
	v9 =	vld [tilespmem:s17+$0x438];
	s17 =	smov.u32 s20;
	s20 =	smov.u32 s23;
	s23 =	smov.u32 s30  }
0x112: {  	v11 =	vld.idx.msk [tilespmem:v16+s9+$0x0], $0xffff;
	[tilespmem:s21+$0x40] =	vst v13  }
0x113: {  	v13 =	vld [tilespmem:s19+$0x50];
	[tilespmem:s14+$0xA0] =	vst v14  }
0x114: {  	s25 =	sadd.s32 $0x190, s25;
	[tilespmem:s24+$0xFFFFFF48] =	vst v15;
	v14 =	vld [tilespmem:s18+$0x400]  }
0x115: {  	s31 =	sand.u32 $0x7FF8, s25;
	s30 =	sadd.s32 $0xFFFFFF38, s25;
	v15 =	vld [tilespmem:s23+$0x20]  }
0x116: {  	s30 =	sand.u32 $0x7FF0, s30;
	v16 =	vld [tilespmem:s15+$0x430]  }
0x117: {  	v12 =	vld.idx.msk [tilespmem:v12+s9+$0x0], $0xffff;
	[tilespmem:s30+$0x8080] =	vst v10  }
0x118: {  	[tilespmem:s24+$0x10] =	vst v11;
	v10 =	vld [tilespmem:s17+$0x410]  }
0x119: {  	v9 =	vld.idx.msk [tilespmem:v9+s9+$0x0], $0xffff  }
0x11a: {  	v11 =	vld [tilespmem:s22+$0x20]  }
0x11b: {  	v13 =	vld.idx.msk [tilespmem:v13+s9+$0x0], $0xffff  }
0x11c: {  	v14 =	vld.idx.msk [tilespmem:v14+s9+$0x0], $0xffff  }
0x11d: {  	v15 =	vld.idx.msk [tilespmem:v15+s9+$0x0], $0xffff;
	[tilespmem:s21+$0xFFFFFF88] =	vst v12  }
0x11e: {  	v17 =	vld [tilespmem:s20+$0x60]  }
0x11f: {  	[tilespmem:s14+$0xFFFFFFF0] =	vst v9;
	v16 =	vld.idx.msk [tilespmem:v16+s9+$0x0], $0xffff  }
0x120: {  	v18 =	vld.idx.msk [tilespmem:v10+s9+$0x0], $0xffff  }
0x121: {  	[tilespmem:s21+$0x50] =	vst v13;
	v8 =	vld.idx.msk [tilespmem:v8+s9+$0x0], $0xffff  }
.Ltmp0:
0x122: {  	v13 =	vld.idx.msk [tilespmem:v11+s9+$0x0], $0xffff;
	[tilespmem:s31+$0x8080] =	vst v14;
	(pc) =	sbr.rel @p0 .LBB2_2-.Ltmp0, $4  }
0x123: {  	[tilespmem:s24+$0xFFFFFF58] =	vst v15;
	v10 =	vld [tilespmem:s19+$0x60]  }
0x124: {  	v12 =	vld [tilespmem:s23+$0x30]  }
0x125: {  	v9 =	vld [tilespmem:s18+$0x410];
	[tilespmem:s14+$0xB0] =	vst v16  }
0x126: {  	s29 =	sadd.s32 $0x100, s29;
	v11 =	vld.idx.msk [tilespmem:v17+s9+$0x0], $0xffff;
	[tilespmem:s16+$0xFFFFFFC8] =	vst v18  }
0x127: {  	[tilespmem:s24+$0x20] =	vst v13  }
0x128: {  	v13 =	vld [tilespmem:s22+$0x30];
	_ =	sdelay $0x6  }
0x129: {  	v12 =	vld.idx.msk [tilespmem:v12+s9+$0x0], $0xffff  }
0x12a: {  	v13 =	vld.idx.msk [tilespmem:v13+s9+$0x0], $0xffff;
	_ =	sdelay $0x3  }
0x12b: {  	[tilespmem:s24+$0xFFFFFF68] =	vst v12  }
0x12c: {  	v12 =	vld [tilespmem:s23+$0x40];
	[tilespmem:s24+$0x30] =	vst v13  }
0x12d: {  	v13 =	vld [tilespmem:s22+$0x40];
	_ =	sdelay $0x6  }
0x12e: {  	v12 =	vld.idx.msk [tilespmem:v12+s9+$0x0], $0xffff  }
0x12f: {  	v13 =	vld.idx.msk [tilespmem:v13+s9+$0x0], $0xffff;
	_ =	sdelay $0x3  }
0x130: {  	[tilespmem:s24+$0xFFFFFF78] =	vst v12  }
0x131: {  	v12 =	vld [tilespmem:s23+$0x50];
	[tilespmem:s24+$0x40] =	vst v13  }
0x132: {  	v13 =	vld [tilespmem:s22+$0x50];
	_ =	sdelay $0x6  }
0x133: {  	v12 =	vld.idx.msk [tilespmem:v12+s9+$0x0], $0xffff  }
0x134: {  	v13 =	vld.idx.msk [tilespmem:v13+s9+$0x0], $0xffff;
	_ =	sdelay $0x3  }
0x135: {  	[tilespmem:s24+$0xFFFFFF88] =	vst v12  }
0x136: {  	v12 =	vld [tilespmem:s23+$0x60];
	[tilespmem:s24+$0x50] =	vst v13  }
0x137: {  	v13 =	vld [tilespmem:s22+$0x60];
	_ =	sdelay $0x5  }
0x138: {  	v10 =	vld.idx.msk [tilespmem:v10+s9+$0x0], $0xffff  }
0x139: {  	v12 =	vld.idx.msk [tilespmem:v12+s9+$0x0], $0xffff  }
0x13a: {  	v13 =	vld.idx.msk [tilespmem:v13+s9+$0x0], $0xffff;
	_ =	sdelay $0x1  }
0x13b: {  	[tilespmem:s21+$0xFFFFFF98] =	vst v11  }
0x13c: {  	v11 =	vld [tilespmem:s20+$0x70];
	[tilespmem:s21+$0x60] =	vst v10  }
0x13d: {  	v59 =	vld [tilespmem:s19+$0x70];
	[tilespmem:s24+$0xFFFFFF98] =	vst v12  }
0x13e: {  	v58 =	vld [tilespmem:s23+$0x70];
	[tilespmem:s24+$0x60] =	vst v13  }
0x13f: {  	v13 =	vld [tilespmem:s22+$0x70];
	_ =	sdelay $0x4  }
0x140: {  	v11 =	vld.idx.msk [tilespmem:v11+s9+$0x0], $0xffff  }
0x141: {  	v12 =	vld.idx.msk [tilespmem:v59+s9+$0x0], $0xffff  }
0x142: {  	v10 =	vld.idx.msk [tilespmem:v58+s9+$0x0], $0xffff  }
0x143: {  	v13 =	vld.idx.msk [tilespmem:v13+s9+$0x0], $0xffff;
	_ =	sdelay $0x1  }
0x144: {  	[tilespmem:s21+$0xFFFFFFA8] =	vst v11  }
0x145: {  	v11 =	vld [tilespmem:s20+$0x400];
	[tilespmem:s21+$0x70] =	vst v12  }
0x146: {  	v12 =	vld [tilespmem:s19+$0x400];
	[tilespmem:s24+$0xFFFFFFA8] =	vst v10  }
0x147: {  	v10 =	vld [tilespmem:s23+$0x400];
	[tilespmem:s24+$0x70] =	vst v13  }
0x148: {  	v13 =	vld [tilespmem:s22+$0x400];
	_ =	sdelay $0x4  }
0x149: {  	v11 =	vld.idx.msk [tilespmem:v11+s9+$0x0], $0xffff  }
0x14a: {  	v12 =	vld.idx.msk [tilespmem:v12+s9+$0x0], $0xffff  }
0x14b: {  	s25 =	sadd.s32 $0x190, s25;
	v10 =	vld.idx.msk [tilespmem:v10+s9+$0x0], $0xffff  }
0x14c: {  	s26 =	sadd.s32 $0xFFFFFF38, s25;
	v13 =	vld.idx.msk [tilespmem:v13+s9+$0x0], $0xffff  }
0x14d: {  	s28 =	sadd.s32 $0x190, s25;
	s26 =	sand.u32 $0x7FF0, s26  }
0x14e: {  	s25 =	sand.u32 $0x7FF8, s25;
	s30 =	sadd.s32 $0xFFFFFF38, s28;
	[tilespmem:s26+$0x8080] =	vst v11  }
0x14f: {  	s26 =	sand.u32 $0x7FF0, s30;
	v11 =	vld [tilespmem:s20+$0x410];
	[tilespmem:s25+$0x8080] =	vst v12  }
0x150: {  	s31 =	sand.u32 $0x7FF8, s28;
	v12 =	vld [tilespmem:s19+$0x410];
	[tilespmem:s26+$0x8080] =	vst v10  }
0x151: {  	v10 =	vld [tilespmem:s23+$0x410];
	[tilespmem:s31+$0x8080] =	vst v13  }
0x152: {  	v13 =	vld [tilespmem:s22+$0x410];
	_ =	sdelay $0x3  }
0x153: {  	v9 =	vld.idx.msk [tilespmem:v9+s9+$0x0], $0xffff  }
0x154: {  	v11 =	vld.idx.msk [tilespmem:v11+s9+$0x0], $0xffff  }
0x155: {  	v12 =	vld.idx.msk [tilespmem:v12+s9+$0x0], $0xffff  }
0x156: {  	v10 =	vld.idx.msk [tilespmem:v10+s9+$0x0], $0xffff  }
0x157: {  	v13 =	vld.idx.msk [tilespmem:v13+s9+$0x0], $0xffff  }
0x158: {  	v14 =	vld [tilespmem:s17+$0x420];
	[tilespmem:s16+$0x90] =	vst v9  }
0x159: {  	v61 =	vld [tilespmem:s18+$0x420];
	[tilespmem:s21+$0xFFFFFFC8] =	vst v11  }
0x15a: {  	v60 =	vld [tilespmem:s20+$0x420];
	[tilespmem:s21+$0x90] =	vst v12  }
0x15b: {  	v12 =	vld [tilespmem:s19+$0x420];
	[tilespmem:s24+$0xFFFFFFC8] =	vst v10  }
0x15c: {  	v10 =	vld [tilespmem:s23+$0x420];
	[tilespmem:s24+$0x90] =	vst v13  }
0x15d: {  	v13 =	vld [tilespmem:s22+$0x420];
	_ =	sdelay $0x2  }
0x15e: {  	v14 =	vld.idx.msk [tilespmem:v14+s9+$0x0], $0xffff  }
0x15f: {  	v11 =	vld.idx.msk [tilespmem:v61+s9+$0x0], $0xffff  }
0x160: {  	v9 =	vld.idx.msk [tilespmem:v60+s9+$0x0], $0xffff  }
0x161: {  	v12 =	vld.idx.msk [tilespmem:v12+s9+$0x0], $0xffff  }
0x162: {  	v10 =	vld.idx.msk [tilespmem:v10+s9+$0x0], $0xffff  }
0x163: {  	[tilespmem:s16+$0xFFFFFFD8] =	vst v14;
	v13 =	vld.idx.msk [tilespmem:v13+s9+$0x0], $0xffff  }
0x164: {  	v14 =	vld [tilespmem:s17+$0x430];
	[tilespmem:s16+$0xA0] =	vst v11  }
0x165: {  	v11 =	vld [tilespmem:s18+$0x430];
	[tilespmem:s21+$0xFFFFFFD8] =	vst v9  }
0x166: {  	v9 =	vld [tilespmem:s20+$0x430];
	[tilespmem:s21+$0xA0] =	vst v12  }
0x167: {  	v12 =	vld [tilespmem:s19+$0x430];
	[tilespmem:s24+$0xFFFFFFD8] =	vst v10  }
0x168: {  	v10 =	vld [tilespmem:s23+$0x430];
	[tilespmem:s24+$0xA0] =	vst v13  }
0x169: {  	v13 =	vld [tilespmem:s22+$0x430];
	_ =	sdelay $0x1  }
0x16a: {  	v15 =	vld [tilespmem:s15+$0x438]  }
0x16b: {  	v14 =	vld.idx.msk [tilespmem:v14+s9+$0x0], $0xffff  }
0x16c: {  	v11 =	vld.idx.msk [tilespmem:v11+s9+$0x0], $0xffff  }
0x16d: {  	v9 =	vld.idx.msk [tilespmem:v9+s9+$0x0], $0xffff  }
0x16e: {  	v12 =	vld.idx.msk [tilespmem:v12+s9+$0x0], $0xffff  }
0x16f: {  	v10 =	vld.idx.msk [tilespmem:v10+s9+$0x0], $0xffff  }
0x170: {  	[tilespmem:s16+$0xFFFFFFE8] =	vst v14;
	v13 =	vld.idx.msk [tilespmem:v13+s9+$0x0], $0xffff  }
0x171: {  	v14 =	vld [tilespmem:s17+$0x438];
	[tilespmem:s16+$0xB0] =	vst v11  }
0x172: {  	v11 =	vld [tilespmem:s18+$0x438];
	[tilespmem:s21+$0xFFFFFFE8] =	vst v9  }
0x173: {  	v9 =	vld [tilespmem:s20+$0x438];
	[tilespmem:s21+$0xB0] =	vst v12  }
0x174: {  	v12 =	vld [tilespmem:s19+$0x438];
	[tilespmem:s24+$0xFFFFFFE8] =	vst v10  }
0x175: {  	v10 =	vld [tilespmem:s23+$0x438];
	[tilespmem:s24+$0xB0] =	vst v13  }
0x176: {  	v13 =	vld [tilespmem:s22+$0x438];
	_ =	sdelay $0x1  }
0x177: {  	v15 =	vld.idx.msk [tilespmem:v15+s9+$0x0], $0xffff  }
0x178: {  	v14 =	vld.idx.msk [tilespmem:v14+s9+$0x0], $0xffff  }
0x179: {  	v11 =	vld.idx.msk [tilespmem:v11+s9+$0x0], $0xffff  }
0x17a: {  	v9 =	vld.idx.msk [tilespmem:v9+s9+$0x0], $0xffff  }
0x17b: {  	[tilespmem:s13+$0xB8] =	vst v8;
	v62 =	vld.idx.msk [tilespmem:v12+s9+$0x0], $0xffff  }
0x17c: {  	[tilespmem:s14+$0xB8] =	vst v15;
	v8 =	vld.idx.msk [tilespmem:v10+s9+$0x0], $0xffff  }
0x17d: {  	[tilespmem:s16+$0xFFFFFFF0] =	vst v14;
	v63 =	vld.idx.msk [tilespmem:v13+s9+$0x0], $0xffff  }
0x17e: {  	[tilespmem:s16+$0xB8] =	vst v11  }
0x17f: {  	[tilespmem:s21+$0xFFFFFFF0] =	vst v9  }
0x180: {  	s12 =	sadd.s32 $0x1, s12;
	[tilespmem:s21+$0xB8] =	vst v62  }
0x181: {  	p0 =	sne.s32 s12, s6;
	[tilespmem:s24+$0xFFFFFFF0] =	vst v8  }
.Ltmp1:
0x182: {  	[tilespmem:s24+$0xB8] =	vst v63;
	(pc) =	sbr.rel @p0 .LBB2_1-.Ltmp1, $4  }
0x183: {  	[hbm4b:s5+s3] =	stream.linear.scatter [tilespmem:s11], [sflag:$0x2], $0x6400, $0x38;
	[tilespmem:$0xE500] =	vst v63  }
0x184: {  	_ =	swait.ge [sflag:s8], $0x6400  }
0x185: {  	[sflag:s8] =	ssyncset.done $0x0  }
0x186: {  	[sflag:s8] =	ssyncadd.s32 $0xFFFF9C00  }
0x187: {  	_ =	sfence.sel $0x180000  }
0x188: {  	[bflag:$0x0] =	sbarrier.arrive $0xFFFF  }
0x189: {  	p0 =	sne.s32 s1, $0x0;
	_ =	strace $0x90000047  }
0x18a: {  	s0 =	sadd.s32 @!p0 $0x100000, s0;
	[bflag:$0x2] =	sbarrier.arrive $0xFFFF  }
0x18b: {  	[sflag:s0] =	ssyncadd.tile.s32 @!p0 $0x1;
	_ =	shalt  }
.Lfunc_end2:
_tile_overlayer_lowered:
.L_overlay_start_2:
0x18c: {  	(tag) =	ssettag $0x2  }
0x18d: {  	s0 =	rddreg [dreg:$0x0];
	s2 =	stileid.u32  }
0x18e: {  	s1 =	rddreg [dreg:$0x1];
	p0 =	sne.s32 s2, $0x0  }
0x18f: {  	s3 =	rddreg [dreg:$0x2];
	[bflag:$0x3] =	sbarrier.arrive $0xFFFF;
	s2 =	simm.s32 @!p0 $0x1C02  }
0x190: {  	[timem:s3], [sflag:s2] =	dma.local @!p0 [hbm:s0], s1  }
0x191: {  	s0 =	simm.s32 @!p0 $0x2  }
0x192: {  	_ =	swait.ge @!p0 [sflag:s0], s1  }
0x193: {  	s1 =	ssub.s32 @!p0 $0x0, s1;
	[sflag:s0] =	ssyncset.done @!p0 $0x0  }
0x194: {  	[sflag:s0] =	ssyncadd.s32 @!p0 s1  }
0x195: {  	[bflag:$0x3] =	sbarrier.arrive $0xFFFF  }
0x196: {  	_ =	shalt  }

</sc_bundles>
